<compile_context>
chip_gen: v7x
topology: tpu7x:2x2x1
jax: 0.10.2.dev20260603
libtpu: 0.0.44.dev20260713+nightly
codegen_flags: <defaults>
</compile_context>

<pallas_src>
import functools

import jax
import jax.numpy as jnp
from jax.experimental import pallas as pl
from jax.experimental.pallas import tpu as pltpu
from jax.experimental.pallas import tpu_sc as plsc

N_PROP = 5000
IMG = 800.0
S = 7
NUM_CLASSES = 21
SCORE_THRESH = 0.05
NMS_THRESH = 0.5
NUM_DET = 100
MIN_SIZE = 1.0

NCM1 = NUM_CLASSES - 1
ROWS = 32
LANES = 5120
NEG = -3.0e38

_D = 256
_B = N_PROP * S * S
_NW = 32
_CH = 56
_CHUNKS = 140
_NBUF = 4
_PER_W = _CH * _CHUNKS
_B_PAD = _NW * _PER_W
_N_PAD = _B_PAD // (S * S)
_QNORM = 99 * 99
_XL = _QNORM
_XR = _XL + 99
_YT = _XR + 99
_YB = _YT + 99
_CC = _YB + 99
_QROWS = _CC + 4
_RB = 4480

assert _CHUNKS % _NBUF == 0 and _B_PAD == 5120 * 49


def _sc_gather(table, idx):
    mesh = plsc.VectorSubcoreMesh(core_axis_name="c", subcore_axis_name="s")

    @functools.partial(
        pl.kernel,
        out_type=jax.ShapeDtypeStruct((_B_PAD, _D), jnp.float32),
        mesh=mesh,
        scratch_types=[pltpu.VMEM((_PER_W,), jnp.int32)]
        + [pltpu.VMEM((_CH, _D), jnp.float32)] * _NBUF
        + [pltpu.SemaphoreType.DMA] * (2 * _NBUF),
    )
    def k(table_hbm, idx_hbm, out_hbm, idx_all, *bufs_and_sems):
        rows = bufs_and_sems[:_NBUF]
        sg = bufs_and_sems[_NBUF:2 * _NBUF]
        so = bufs_and_sems[2 * _NBUF:]
        wid = jax.lax.axis_index("s") * 2 + jax.lax.axis_index("c")
        base_w = wid * _PER_W
        pltpu.sync_copy(idx_hbm.at[pl.ds(base_w, _PER_W)], idx_all)

        def g_start(c, j):
            pltpu.async_copy(
                table_hbm.at[idx_all.at[pl.ds(c * _CH, _CH)]], rows[j], sg[j])

        def g_wait(c, j):
            pltpu.make_async_copy(
                table_hbm.at[idx_all.at[pl.ds(c * _CH, _CH)]], rows[j],
                sg[j]).wait()

        def o_start(c, j):
            pltpu.async_copy(
                rows[j], out_hbm.at[pl.ds(base_w + c * _CH, _CH)], so[j])

        def o_wait(c, j):
            pltpu.make_async_copy(
                rows[j], out_hbm.at[pl.ds(base_w + c * _CH, _CH)],
                so[j]).wait()

        for j in range(_NBUF):
            g_start(j, j)

        @pl.loop(0, _CHUNKS // _NBUF - 1)
        def _(g):
            c0 = g * _NBUF
            for j in range(_NBUF):
                g_wait(c0 + j, j)
                o_start(c0 + j, j)
            for j in range(_NBUF):
                o_wait(c0 + j, j)
                g_start(c0 + _NBUF + j, j)

        c0 = _CHUNKS - _NBUF
        for j in range(_NBUF):
            g_wait(c0 + j, j)
            o_start(c0 + j, j)
        for j in range(_NBUF):
            o_wait(c0 + j, j)

    return k(table, idx)


def _nms_kernel(sc_ref, bx_ref, out_s_ref, out_b_ref):
    sc = sc_ref[...]
    x1 = bx_ref[0:1, :]
    y1 = bx_ref[1:2, :]
    x2 = bx_ref[2:3, :]
    y2 = bx_ref[3:4, :]
    a2 = (x2 - x1) * (y2 - y1)
    lane = jax.lax.broadcasted_iota(jnp.int32, (ROWS, LANES), 1)
    out_lane = jax.lax.broadcasted_iota(jnp.int32, (ROWS, NUM_DET), 1)

    out_s_ref[...] = jnp.zeros((ROWS, NUM_DET), jnp.float32)
    for c in range(4):
        out_b_ref[c, :, :] = jnp.zeros((ROWS, NUM_DET), jnp.float32)

    def body(t, sc):
        m = jnp.max(sc, axis=1, keepdims=True)
        idx = jnp.min(jnp.where(sc == m, lane, LANES), axis=1, keepdims=True)
        onehot = lane == idx
        zero = jnp.zeros((ROWS, LANES), jnp.float32)
        sx1 = jnp.sum(jnp.where(onehot, x1, zero), axis=1, keepdims=True)
        sy1 = jnp.sum(jnp.where(onehot, y1, zero), axis=1, keepdims=True)
        sx2 = jnp.sum(jnp.where(onehot, x2, zero), axis=1, keepdims=True)
        sy2 = jnp.sum(jnp.where(onehot, y2, zero), axis=1, keepdims=True)
        xx1 = jnp.maximum(sx1, x1)
        yy1 = jnp.maximum(sy1, y1)
        xx2 = jnp.minimum(sx2, x2)
        yy2 = jnp.minimum(sy2, y2)
        inter = jnp.maximum(xx2 - xx1, 0.0) * jnp.maximum(yy2 - yy1, 0.0)
        a1 = (sx2 - sx1) * (sy2 - sy1)
        iou = inter / (a1 + a2 - inter + 1e-9)
        sc = jnp.where(iou > NMS_THRESH, -1e9, sc)
        sc = jnp.where(onehot, -1e9, sc)
        hot_t = out_lane == t
        out_s_ref[...] = jnp.where(hot_t, m, out_s_ref[...])
        out_b_ref[0, :, :] = jnp.where(hot_t, sx1, out_b_ref[0, :, :])
        out_b_ref[1, :, :] = jnp.where(hot_t, sy1, out_b_ref[1, :, :])
        out_b_ref[2, :, :] = jnp.where(hot_t, sx2, out_b_ref[2, :, :])
        out_b_ref[3, :, :] = jnp.where(hot_t, sy2, out_b_ref[3, :, :])
        return sc

    jax.lax.fori_loop(0, NUM_DET, body, sc)


def _run_nms(sc0, bx):
    sc_pad = jnp.full((ROWS, LANES), NEG, jnp.float32)
    sc_pad = sc_pad.at[:NCM1, :N_PROP].set(sc0)
    bx_pad = jnp.zeros((4, LANES), jnp.float32)
    bx_pad = bx_pad.at[:, :N_PROP].set(bx.T)
    out_s, out_b = pl.pallas_call(
        _nms_kernel,
        out_shape=(
            jax.ShapeDtypeStruct((ROWS, NUM_DET), jnp.float32),
            jax.ShapeDtypeStruct((4, ROWS, NUM_DET), jnp.float32),
        ),
    )(sc_pad, bx_pad)
    boxes_k = jnp.transpose(out_b[:, :NCM1, :], (1, 2, 0))
    scores_k = out_s[:NCM1, :]
    return boxes_k, scores_k


def kernel(feature, proposal, image_shape, W_fc, b_fc, W_cls, b_cls, W_reg, b_reg):
    spatial_scale = feature.shape[-1] / IMG
    feat = feature[0]
    C, H, W = feat.shape
    b = proposal * spatial_scale
    px1, py1, px2, py2 = b[:, 0], b[:, 1], b[:, 2], b[:, 3]
    bw = jnp.maximum(px2 - px1, 1e-6)
    bh = jnp.maximum(py2 - py1, 1e-6)
    grid = (jnp.arange(S, dtype=jnp.float32) + 0.5) / S
    sx = px1[:, None] + grid[None, :] * bw[:, None]
    sy = py1[:, None] + grid[None, :] * bh[:, None]
    N = proposal.shape[0]
    yy = jnp.broadcast_to(sy[:, :, None], (N, S, S)) - 0.5
    xx = jnp.broadcast_to(sx[:, None, :], (N, S, S)) - 0.5

    fy = jnp.floor(yy)
    fx = jnp.floor(xx)
    ly = yy - fy
    lx = xx - fx
    fyi = fy.astype(jnp.int32)
    fxi = fx.astype(jnp.int32)
    pyi = jnp.clip(fyi, 0, H - 2)
    pxi = jnp.clip(fxi, 0, W - 2)
    ynorm = (fyi >= 0) & (fyi <= H - 2)
    xnorm = (fxi >= 0) & (fxi <= W - 2)
    ylo = fyi < 0
    xlo = fxi < 0
    qidx = jnp.where(
        ynorm & xnorm, pyi * (W - 1) + pxi,
        jnp.where(
            ynorm, jnp.where(xlo, _XL + pyi, _XR + pyi),
            jnp.where(
                xnorm, jnp.where(ylo, _YT + pxi, _YB + pxi),
                _CC + jnp.where(ylo, 0, 2) + jnp.where(xlo, 0, 1))))
    qidx = qidx.reshape(-1)
    pad = (jnp.arange(_B_PAD - _B, dtype=jnp.int32) * 37) % _QNORM
    idx_full = jnp.concatenate([qidx, pad])

    T = jnp.transpose(feat, (1, 2, 0))
    quad = jnp.concatenate(
        [T[:-1, :-1], T[:-1, 1:], T[1:, :-1], T[1:, 1:]], axis=-1
    ).reshape(_QNORM, _D)
    xl = jnp.concatenate([T[:-1, 0], T[:-1, 0], T[1:, 0], T[1:, 0]], axis=-1)
    xr = jnp.concatenate([T[:-1, -1], T[:-1, -1], T[1:, -1], T[1:, -1]],
                         axis=-1)
    yt = jnp.concatenate([T[0, :-1], T[0, 1:], T[0, :-1], T[0, 1:]], axis=-1)
    yb = jnp.concatenate([T[-1, :-1], T[-1, 1:], T[-1, :-1], T[-1, 1:]],
                         axis=-1)
    corners = jnp.stack([jnp.tile(T[0, 0], 4), jnp.tile(T[0, -1], 4),
                         jnp.tile(T[-1, 0], 4), jnp.tile(T[-1, -1], 4)])
    table = jnp.concatenate([quad, xl, xr, yt, yb, corners], axis=0)

    q = _sc_gather(table, idx_full)

    def col(a):
        flat = a.reshape(_B)
        return jnp.concatenate(
            [flat, jnp.zeros((_B_PAD - _B,), flat.dtype)])[:, None]

    w00 = col((1 - ly) * (1 - lx))
    w01 = col((1 - ly) * lx)
    w10 = col(ly * (1 - lx))
    w11 = col(ly * lx)
    s = (q[:, 0:64] * w00 + q[:, 64:128] * w01
         + q[:, 128:192] * w10 + q[:, 192:256] * w11)
    s_pc = s.reshape(_N_PAD, S * S, C)
    bf = s.reshape(_N_PAD, C * S * S)

    h = jax.nn.relu(bf[:N] @ W_fc + b_fc)
    class_logit = h @ W_cls + b_cls
    pred_score = jax.nn.softmax(class_logit, axis=-1)
    bx = jnp.stack([jnp.clip(proposal[:, 0], 0.0, IMG),
                    jnp.clip(proposal[:, 1], 0.0, IMG),
                    jnp.clip(proposal[:, 2], 0.0, IMG),
                    jnp.clip(proposal[:, 3], 0.0, IMG)], axis=1)
    w = bx[:, 2] - bx[:, 0]
    hh = bx[:, 3] - bx[:, 1]
    valid = (w >= MIN_SIZE) & (hh >= MIN_SIZE)
    scT = pred_score[:, 1:].T
    sc0 = jnp.where((scT >= SCORE_THRESH) & valid[None, :], scT, -1.0)
    boxes_k, scores_k = _run_nms(sc0, bx)
    labels_k = jnp.broadcast_to(jnp.arange(1, NUM_CLASSES)[:, None],
                                scores_k.shape)
    return (boxes_k.reshape(-1, 4), scores_k.reshape(-1), labels_k.reshape(-1))

# --- scband reference (transcript-rebuilt; emitter-appended) ---
"""Pipeline reference for scband-ro-iheads-41918880809066 (READ-ONLY COPY).

The authoritative reference and input builder live on the scoring server;
editing this copy changes nothing except your own understanding.
"""

import jax, jax.numpy as jnp
import numpy as np

N_PROP = 5000
C_FEAT = 64
HF = 100
WF = 100
IMG = 800.0
S = 7
REP = 256
NUM_CLASSES = 21
SCORE_THRESH = 0.05
NMS_THRESH = 0.5
NUM_DET = 100
MIN_SIZE = 1.0


def roi_align(feat, boxes, spatial_scale, s):
    # feat: [C, H, W]; boxes: [N, 4] in image coords. sampling_ratio=1 (bin centers).
    C, H, W = feat.shape
    b = boxes * spatial_scale
    x1, y1, x2, y2 = b[:, 0], b[:, 1], b[:, 2], b[:, 3]
    bw = jnp.maximum(x2 - x1, 1e-6)
    bh = jnp.maximum(y2 - y1, 1e-6)
    grid = (jnp.arange(s, dtype=jnp.float32) + 0.5) / s
    sx = x1[:, None] + grid[None, :] * bw[:, None]
    sy = y1[:, None] + grid[None, :] * bh[:, None]
    N = boxes.shape[0]
    yy = jnp.broadcast_to(sy[:, :, None], (N, s, s)) - 0.5
    xx = jnp.broadcast_to(sx[:, None, :], (N, s, s)) - 0.5
    x0f = jnp.floor(xx)
    y0f = jnp.floor(yy)
    lx = xx - x0f
    ly = yy - y0f
    x0 = jnp.clip(x0f.astype(jnp.int32), 0, W - 1)
    x1i = jnp.clip(x0f.astype(jnp.int32) + 1, 0, W - 1)
    y0 = jnp.clip(y0f.astype(jnp.int32), 0, H - 1)
    y1i = jnp.clip(y0f.astype(jnp.int32) + 1, 0, H - 1)
    v00 = feat[:, y0, x0]
    v01 = feat[:, y0, x1i]
    v10 = feat[:, y1i, x0]
    v11 = feat[:, y1i, x1i]
    out = (v00 * ((1 - ly) * (1 - lx)) + v01 * ((1 - ly) * lx)
           + v10 * (ly * (1 - lx)) + v11 * (ly * lx))
    return jnp.transpose(out, (1, 0, 2, 3))  # [N, C, s, s]


def iou_one_many(box, boxes):
    xx1 = jnp.maximum(box[0], boxes[:, 0])
    yy1 = jnp.maximum(box[1], boxes[:, 1])
    xx2 = jnp.minimum(box[2], boxes[:, 2])
    yy2 = jnp.minimum(box[3], boxes[:, 3])
    inter = jnp.clip(xx2 - xx1, 0.0) * jnp.clip(yy2 - yy1, 0.0)
    a1 = (box[2] - box[0]) * (box[3] - box[1])
    a2 = (boxes[:, 2] - boxes[:, 0]) * (boxes[:, 3] - boxes[:, 1])
    return inter / (a1 + a2 - inter + 1e-9)


def nms_fixed(boxes, scores, thresh, k):
    # greedy NMS with fixed trip count k; invalid slots carry score <= 0
    def body(sc, _):
        i = jnp.argmax(sc)
        bi = boxes[i]
        si = sc[i]
        ious = iou_one_many(bi, boxes)
        sc2 = jnp.where(ious > thresh, -1e9, sc)
        sc2 = sc2.at[i].set(-1e9)
        return sc2, (bi, si)
    _, (bsel, ssel) = jax.lax.scan(body, scores, None, length=k)
    return bsel, ssel


def _forward(feature, proposal, W_fc, b_fc, W_cls, b_cls, W_reg, b_reg):
    spatial_scale = feature.shape[-1] / IMG
    bf = roi_align(feature[0], proposal, spatial_scale, S)            # [N, C, 7, 7]
    h = jax.nn.relu(bf.reshape(bf.shape[0], -1) @ W_fc + b_fc)        # [N, REP]
    class_logit = h @ W_cls + b_cls                                   # [N, NC]
    box_regression = h @ W_reg + b_reg                                # [N, NC*4]
    pred_score = jax.nn.softmax(class_logit, axis=-1)
    # process_box: clip to image, remove degenerate boxes (original uses raw proposals)
    bx = jnp.stack([jnp.clip(proposal[:, 0], 0.0, IMG),
                    jnp.clip(proposal[:, 1], 0.0, IMG),
                    jnp.clip(proposal[:, 2], 0.0, IMG),
                    jnp.clip(proposal[:, 3], 0.0, IMG)], axis=1)
    w = bx[:, 2] - bx[:, 0]
    hh = bx[:, 3] - bx[:, 1]
    valid = (w >= MIN_SIZE) & (hh >= MIN_SIZE)

    def per_class(sc):
        sc = jnp.where((sc >= SCORE_THRESH) & valid, sc, -1.0)
        return nms_fixed(bx, sc, NMS_THRESH, NUM_DET)

    boxes_k, scores_k = jax.vmap(per_class)(pred_score[:, 1:].T)      # [NC-1, k, 4], [NC-1, k]
    labels_k = jnp.broadcast_to(jnp.arange(1, NUM_CLASSES)[:, None], scores_k.shape)
    return (boxes_k.reshape(-1, 4), scores_k.reshape(-1), labels_k.reshape(-1))


def setup_inputs(seed: int = 0) -> dict:
    key = jax.random.key(seed)
    ks = jax.random.split(key, 10)
    feature = jax.random.normal(ks[0], (1, C_FEAT, HF, WF), dtype=jnp.float32)
    cxy = jax.random.uniform(ks[1], (N_PROP, 2), minval=0.0, maxval=IMG)
    wh = jax.random.uniform(ks[2], (N_PROP, 2), minval=8.0, maxval=256.0)
    x1y1 = jnp.clip(cxy - wh / 2, 0.0, IMG)
    x2y2 = jnp.clip(cxy + wh / 2, 0.0, IMG)
    proposal = jnp.concatenate([x1y1, x2y2], axis=1).astype(jnp.float32)
    image_shape = jnp.array([800, 800], dtype=jnp.int32)
    D = C_FEAT * S * S
    W_fc = jax.random.normal(ks[3], (D, REP), dtype=jnp.float32) * 0.01
    b_fc = jnp.zeros((REP,), jnp.float32)
    W_cls = jax.random.normal(ks[4], (REP, NUM_CLASSES), dtype=jnp.float32) * 0.01
    b_cls = jnp.zeros((NUM_CLASSES,), jnp.float32)
    W_reg = jax.random.normal(ks[5], (REP, NUM_CLASSES * 4), dtype=jnp.float32) * 0.01
    b_reg = jnp.zeros((NUM_CLASSES * 4,), jnp.float32)
    return {"feature": feature, "proposal": proposal, "image_shape": image_shape,
            "W_fc": W_fc, "b_fc": b_fc, "W_cls": W_cls, "b_cls": b_cls,
            "W_reg": W_reg, "b_reg": b_reg}


def reference(feature, proposal, image_shape, W_fc, b_fc, W_cls, b_cls, W_reg, b_reg):
    # image_shape is a constant (800, 800); closed over via IMG
    return _forward(feature, proposal, W_fc, b_fc, W_cls, b_cls, W_reg, b_reg)

if __name__ == "__main__":
    import jax
    _d = setup_inputs()
    print(jax.jit(kernel)(*tuple(_d.values())))

</pallas_src>

<mosaic_0001>
#map = affine_map<(d0, d1) -> (0, 0)>
#map1 = affine_map<(d0, d1) -> (0)>
module attributes {stable_mosaic.version = 14 : i64} {
  func.func @k(%arg0: i32, %arg1: i32, %arg2: memref<10201x256xf32, #tpu.memory_space<hbm>>, %arg3: memref<250880xi32, #tpu.memory_space<hbm>>, %arg4: memref<250880x256xf32, #tpu.memory_space<hbm>>, %arg5: memref<7840xi32, #tpu.memory_space<vmem>>, %arg6: memref<56x256xf32, #tpu.memory_space<vmem>>, %arg7: memref<56x256xf32, #tpu.memory_space<vmem>>, %arg8: memref<56x256xf32, #tpu.memory_space<vmem>>, %arg9: memref<56x256xf32, #tpu.memory_space<vmem>>, %arg10: memref<!tpu.dma_semaphore, #tpu.memory_space<semaphore_mem>>, %arg11: memref<!tpu.dma_semaphore, #tpu.memory_space<semaphore_mem>>, %arg12: memref<!tpu.dma_semaphore, #tpu.memory_space<semaphore_mem>>, %arg13: memref<!tpu.dma_semaphore, #tpu.memory_space<semaphore_mem>>, %arg14: memref<!tpu.dma_semaphore, #tpu.memory_space<semaphore_mem>>, %arg15: memref<!tpu.dma_semaphore, #tpu.memory_space<semaphore_mem>>, %arg16: memref<!tpu.dma_semaphore, #tpu.memory_space<semaphore_mem>>, %arg17: memref<!tpu.dma_semaphore, #tpu.memory_space<semaphore_mem>>) attributes {dimension_semantics = [#tpu.dimension_semantics<core_parallel>, #tpu.dimension_semantics<subcore_parallel>], iteration_bounds = array<i64: 2, 16>, scalar_prefetch = 0 : i64, scratch_operands = 13 : i64, tpu.core_type = #tpu.core_type<sc_vector_subcore>, window_params = [{transform_indices = #map}, {transform_indices = #map1}, {transform_indices = #map}]} {
    %mul3A = arith.constant 2 : i32
    %mul3A_0 = arith.muli %arg1, %mul3A : i32
    %add3A = arith.addi %mul3A_0, %arg0 : i32
    %mul3A_1 = arith.constant 7840 : i32
    %mul3A_2 = arith.muli %add3A, %mul3A_1 : i32
    "tpu.region"() ({
      %run_scoped3A = tpu.sem_alloc : memref<!tpu.dma_semaphore, #tpu.memory_space<semaphore_mem>>
      %dma_start3A_93 = tpu.memref_slice %arg3[%mul3A_2] : memref<250880xi32, #tpu.memory_space<hbm>> -> memref<7840xi32, #tpu.memory_space<hbm>>
      %dma_start3A_94 = tpu.memref_slice %arg3[%mul3A_2] : memref<250880xi32, #tpu.memory_space<hbm>> -> memref<7840xi32, #tpu.memory_space<hbm>>
      tpu.enqueue_dma source(%dma_start3A_94 : memref<7840xi32, #tpu.memory_space<hbm>>) target(%arg5 : memref<7840xi32, #tpu.memory_space<vmem>>) target_semaphore(%run_scoped3A : memref<!tpu.dma_semaphore, #tpu.memory_space<semaphore_mem>>)
      %dma_wait3A_95 = tpu.memref_slice %arg3[%mul3A_2] : memref<250880xi32, #tpu.memory_space<hbm>> -> memref<7840xi32, #tpu.memory_space<hbm>>
      %dma_wait3A_96 = tpu.memref_slice %arg3[%mul3A_2] : memref<250880xi32, #tpu.memory_space<hbm>> -> memref<7840xi32, #tpu.memory_space<hbm>>
      tpu.wait_dma2 semaphore(%run_scoped3A : memref<!tpu.dma_semaphore, #tpu.memory_space<semaphore_mem>>) src(%dma_wait3A_96 : memref<7840xi32, #tpu.memory_space<hbm>>) dst(%arg5 : memref<7840xi32, #tpu.memory_space<vmem>>)
      tpu.yield
    }) : () -> ()
    %dma_start3A = arith.constant 0 : i32
    %dma_start3A_3 = tpu.memref_slice %arg5[%dma_start3A] : memref<7840xi32, #tpu.memory_space<vmem>> -> memref<56xi32, #tpu.memory_space<vmem>>
    %dma_start3A_4 = arith.constant 0 : i32
    %dma_start3A_5 = arith.constant 0 : i32
    %dma_start3A_6 = tpu.memref_slice %arg2[%dma_start3A_4, %dma_start3A_5] : memref<10201x256xf32, #tpu.memory_space<hbm>> -> memref<10201x256xf32, #tpu.memory_space<hbm>>
    tpu.enqueue_indirect_dma source(%dma_start3A_6 : memref<10201x256xf32, #tpu.memory_space<hbm>>) target(%arg6 : memref<56x256xf32, #tpu.memory_space<vmem>>) offsets(%dma_start3A_3 : memref<56xi32, #tpu.memory_space<vmem>>) semaphore(%arg10 : memref<!tpu.dma_semaphore, #tpu.memory_space<semaphore_mem>>)
    %dma_start3A_7 = arith.constant 56 : i32
    %dma_start3A_8 = tpu.memref_slice %arg5[%dma_start3A_7] : memref<7840xi32, #tpu.memory_space<vmem>> -> memref<56xi32, #tpu.memory_space<vmem>>
    %dma_start3A_9 = arith.constant 0 : i32
    %dma_start3A_10 = arith.constant 0 : i32
    %dma_start3A_11 = tpu.memref_slice %arg2[%dma_start3A_9, %dma_start3A_10] : memref<10201x256xf32, #tpu.memory_space<hbm>> -> memref<10201x256xf32, #tpu.memory_space<hbm>>
    tpu.enqueue_indirect_dma source(%dma_start3A_11 : memref<10201x256xf32, #tpu.memory_space<hbm>>) target(%arg7 : memref<56x256xf32, #tpu.memory_space<vmem>>) offsets(%dma_start3A_8 : memref<56xi32, #tpu.memory_space<vmem>>) semaphore(%arg11 : memref<!tpu.dma_semaphore, #tpu.memory_space<semaphore_mem>>)
    %dma_start3A_12 = arith.constant 112 : i32
    %dma_start3A_13 = tpu.memref_slice %arg5[%dma_start3A_12] : memref<7840xi32, #tpu.memory_space<vmem>> -> memref<56xi32, #tpu.memory_space<vmem>>
    %dma_start3A_14 = arith.constant 0 : i32
    %dma_start3A_15 = arith.constant 0 : i32
    %dma_start3A_16 = tpu.memref_slice %arg2[%dma_start3A_14, %dma_start3A_15] : memref<10201x256xf32, #tpu.memory_space<hbm>> -> memref<10201x256xf32, #tpu.memory_space<hbm>>
    tpu.enqueue_indirect_dma source(%dma_start3A_16 : memref<10201x256xf32, #tpu.memory_space<hbm>>) target(%arg8 : memref<56x256xf32, #tpu.memory_space<vmem>>) offsets(%dma_start3A_13 : memref<56xi32, #tpu.memory_space<vmem>>) semaphore(%arg12 : memref<!tpu.dma_semaphore, #tpu.memory_space<semaphore_mem>>)
    %dma_start3A_17 = arith.constant 168 : i32
    %dma_start3A_18 = tpu.memref_slice %arg5[%dma_start3A_17] : memref<7840xi32, #tpu.memory_space<vmem>> -> memref<56xi32, #tpu.memory_space<vmem>>
    %dma_start3A_19 = arith.constant 0 : i32
    %dma_start3A_20 = arith.constant 0 : i32
    %dma_start3A_21 = tpu.memref_slice %arg2[%dma_start3A_19, %dma_start3A_20] : memref<10201x256xf32, #tpu.memory_space<hbm>> -> memref<10201x256xf32, #tpu.memory_space<hbm>>
    tpu.enqueue_indirect_dma source(%dma_start3A_21 : memref<10201x256xf32, #tpu.memory_space<hbm>>) target(%arg9 : memref<56x256xf32, #tpu.memory_space<vmem>>) offsets(%dma_start3A_18 : memref<56xi32, #tpu.memory_space<vmem>>) semaphore(%arg13 : memref<!tpu.dma_semaphore, #tpu.memory_space<semaphore_mem>>)
    %scan3A = arith.constant 0 : i32
    %scan3A_22 = arith.constant 34 : i32
    %scan3A_23 = arith.addi %scan3A, %scan3A_22 : i32
    %scan3A_24 = arith.constant 1 : i32
    scf.for %scan3A_93 = %scan3A to %scan3A_23 step %scan3A_24  : i32 {
      %mul3A_94 = arith.constant 1 : i32
      %mul3A_95 = arith.muli %scan3A_93, %mul3A_94 : i32
      %add3A_96 = arith.constant 0 : i32
      %add3A_97 = arith.addi %add3A_96, %mul3A_95 : i32
      %mul3A_98 = arith.constant 4 : i32
      %mul3A_99 = arith.muli %add3A_97, %mul3A_98 : i32
      %add3A_100 = arith.constant 0 : i32
      %add3A_101 = arith.addi %mul3A_99, %add3A_100 : i32
      %mul3A_102 = arith.constant 56 : i32
      %mul3A_103 = arith.muli %add3A_101, %mul3A_102 : i32
      %dma_wait3A_104 = tpu.memref_slice %arg5[%mul3A_103] : memref<7840xi32, #tpu.memory_space<vmem>> -> memref<56xi32, #tpu.memory_space<vmem>>
      %dma_wait3A_105 = arith.constant 0 : i32
      %dma_wait3A_106 = arith.constant 0 : i32
      %dma_wait3A_107 = tpu.memref_slice %arg2[%dma_wait3A_105, %dma_wait3A_106] : memref<10201x256xf32, #tpu.memory_space<hbm>> -> memref<10201x256xf32, #tpu.memory_space<hbm>>
      tpu.wait_indirect_dma semaphore(%arg10 : memref<!tpu.dma_semaphore, #tpu.memory_space<semaphore_mem>>) src(%dma_wait3A_107 : memref<10201x256xf32, #tpu.memory_space<hbm>>) dst(%arg6 : memref<56x256xf32, #tpu.memory_space<vmem>>)
      %add3A_108 = arith.constant 0 : i32
      %add3A_109 = arith.addi %mul3A_99, %add3A_108 : i32
      %mul3A_110 = arith.constant 56 : i32
      %mul3A_111 = arith.muli %add3A_109, %mul3A_110 : i32
      %add3A_112 = arith.addi %mul3A_2, %mul3A_111 : i32
      %dma_start3A_113 = arith.constant 0 : i32
      %dma_start3A_114 = tpu.memref_slice %arg4[%add3A_112, %dma_start3A_113] : memref<250880x256xf32, #tpu.memory_space<hbm>> -> memref<56x256xf32, #tpu.memory_space<hbm>>
      %dma_start3A_115 = arith.constant 0 : i32
      %dma_start3A_116 = tpu.memref_slice %arg4[%add3A_112, %dma_start3A_115] : memref<250880x256xf32, #tpu.memory_space<hbm>> -> memref<56x256xf32, #tpu.memory_space<hbm>>
      tpu.enqueue_dma source(%arg6 : memref<56x256xf32, #tpu.memory_space<vmem>>) target(%dma_start3A_116 : memref<56x256xf32, #tpu.memory_space<hbm>>) target_semaphore(%arg14 : memref<!tpu.dma_semaphore, #tpu.memory_space<semaphore_mem>>)
      %add3A_117 = arith.constant 1 : i32
      %add3A_118 = arith.addi %mul3A_99, %add3A_117 : i32
      %mul3A_119 = arith.constant 56 : i32
      %mul3A_120 = arith.muli %add3A_118, %mul3A_119 : i32
      %dma_wait3A_121 = tpu.memref_slice %arg5[%mul3A_120] : memref<7840xi32, #tpu.memory_space<vmem>> -> memref<56xi32, #tpu.memory_space<vmem>>
      %dma_wait3A_122 = arith.constant 0 : i32
      %dma_wait3A_123 = arith.constant 0 : i32
      %dma_wait3A_124 = tpu.memref_slice %arg2[%dma_wait3A_122, %dma_wait3A_123] : memref<10201x256xf32, #tpu.memory_space<hbm>> -> memref<10201x256xf32, #tpu.memory_space<hbm>>
      tpu.wait_indirect_dma semaphore(%arg11 : memref<!tpu.dma_semaphore, #tpu.memory_space<semaphore_mem>>) src(%dma_wait3A_124 : memref<10201x256xf32, #tpu.memory_space<hbm>>) dst(%arg7 : memref<56x256xf32, #tpu.memory_space<vmem>>)
      %add3A_125 = arith.constant 1 : i32
      %add3A_126 = arith.addi %mul3A_99, %add3A_125 : i32
      %mul3A_127 = arith.constant 56 : i32
      %mul3A_128 = arith.muli %add3A_126, %mul3A_127 : i32
      %add3A_129 = arith.addi %mul3A_2, %mul3A_128 : i32
      %dma_start3A_130 = arith.constant 0 : i32
      %dma_start3A_131 = tpu.memref_slice %arg4[%add3A_129, %dma_start3A_130] : memref<250880x256xf32, #tpu.memory_space<hbm>> -> memref<56x256xf32, #tpu.memory_space<hbm>>
      %dma_start3A_132 = arith.constant 0 : i32
      %dma_start3A_133 = tpu.memref_slice %arg4[%add3A_129, %dma_start3A_132] : memref<250880x256xf32, #tpu.memory_space<hbm>> -> memref<56x256xf32, #tpu.memory_space<hbm>>
      tpu.enqueue_dma source(%arg7 : memref<56x256xf32, #tpu.memory_space<vmem>>) target(%dma_start3A_133 : memref<56x256xf32, #tpu.memory_space<hbm>>) target_semaphore(%arg15 : memref<!tpu.dma_semaphore, #tpu.memory_space<semaphore_mem>>)
      %add3A_134 = arith.constant 2 : i32
      %add3A_135 = arith.addi %mul3A_99, %add3A_134 : i32
      %mul3A_136 = arith.constant 56 : i32
      %mul3A_137 = arith.muli %add3A_135, %mul3A_136 : i32
      %dma_wait3A_138 = tpu.memref_slice %arg5[%mul3A_137] : memref<7840xi32, #tpu.memory_space<vmem>> -> memref<56xi32, #tpu.memory_space<vmem>>
      %dma_wait3A_139 = arith.constant 0 : i32
      %dma_wait3A_140 = arith.constant 0 : i32
      %dma_wait3A_141 = tpu.memref_slice %arg2[%dma_wait3A_139, %dma_wait3A_140] : memref<10201x256xf32, #tpu.memory_space<hbm>> -> memref<10201x256xf32, #tpu.memory_space<hbm>>
      tpu.wait_indirect_dma semaphore(%arg12 : memref<!tpu.dma_semaphore, #tpu.memory_space<semaphore_mem>>) src(%dma_wait3A_141 : memref<10201x256xf32, #tpu.memory_space<hbm>>) dst(%arg8 : memref<56x256xf32, #tpu.memory_space<vmem>>)
      %add3A_142 = arith.constant 2 : i32
      %add3A_143 = arith.addi %mul3A_99, %add3A_142 : i32
      %mul3A_144 = arith.constant 56 : i32
      %mul3A_145 = arith.muli %add3A_143, %mul3A_144 : i32
      %add3A_146 = arith.addi %mul3A_2, %mul3A_145 : i32
      %dma_start3A_147 = arith.constant 0 : i32
      %dma_start3A_148 = tpu.memref_slice %arg4[%add3A_146, %dma_start3A_147] : memref<250880x256xf32, #tpu.memory_space<hbm>> -> memref<56x256xf32, #tpu.memory_space<hbm>>
      %dma_start3A_149 = arith.constant 0 : i32
      %dma_start3A_150 = tpu.memref_slice %arg4[%add3A_146, %dma_start3A_149] : memref<250880x256xf32, #tpu.memory_space<hbm>> -> memref<56x256xf32, #tpu.memory_space<hbm>>
      tpu.enqueue_dma source(%arg8 : memref<56x256xf32, #tpu.memory_space<vmem>>) target(%dma_start3A_150 : memref<56x256xf32, #tpu.memory_space<hbm>>) target_semaphore(%arg16 : memref<!tpu.dma_semaphore, #tpu.memory_space<semaphore_mem>>)
      %add3A_151 = arith.constant 3 : i32
      %add3A_152 = arith.addi %mul3A_99, %add3A_151 : i32
      %mul3A_153 = arith.constant 56 : i32
      %mul3A_154 = arith.muli %add3A_152, %mul3A_153 : i32
      %dma_wait3A_155 = tpu.memref_slice %arg5[%mul3A_154] : memref<7840xi32, #tpu.memory_space<vmem>> -> memref<56xi32, #tpu.memory_space<vmem>>
      %dma_wait3A_156 = arith.constant 0 : i32
      %dma_wait3A_157 = arith.constant 0 : i32
      %dma_wait3A_158 = tpu.memref_slice %arg2[%dma_wait3A_156, %dma_wait3A_157] : memref<10201x256xf32, #tpu.memory_space<hbm>> -> memref<10201x256xf32, #tpu.memory_space<hbm>>
      tpu.wait_indirect_dma semaphore(%arg13 : memref<!tpu.dma_semaphore, #tpu.memory_space<semaphore_mem>>) src(%dma_wait3A_158 : memref<10201x256xf32, #tpu.memory_space<hbm>>) dst(%arg9 : memref<56x256xf32, #tpu.memory_space<vmem>>)
      %add3A_159 = arith.constant 3 : i32
      %add3A_160 = arith.addi %mul3A_99, %add3A_159 : i32
      %mul3A_161 = arith.constant 56 : i32
      %mul3A_162 = arith.muli %add3A_160, %mul3A_161 : i32
      %add3A_163 = arith.addi %mul3A_2, %mul3A_162 : i32
      %dma_start3A_164 = arith.constant 0 : i32
      %dma_start3A_165 = tpu.memref_slice %arg4[%add3A_163, %dma_start3A_164] : memref<250880x256xf32, #tpu.memory_space<hbm>> -> memref<56x256xf32, #tpu.memory_space<hbm>>
      %dma_start3A_166 = arith.constant 0 : i32
      %dma_start3A_167 = tpu.memref_slice %arg4[%add3A_163, %dma_start3A_166] : memref<250880x256xf32, #tpu.memory_space<hbm>> -> memref<56x256xf32, #tpu.memory_space<hbm>>
      tpu.enqueue_dma source(%arg9 : memref<56x256xf32, #tpu.memory_space<vmem>>) target(%dma_start3A_167 : memref<56x256xf32, #tpu.memory_space<hbm>>) target_semaphore(%arg17 : memref<!tpu.dma_semaphore, #tpu.memory_space<semaphore_mem>>)
      %add3A_168 = arith.constant 0 : i32
      %add3A_169 = arith.addi %mul3A_99, %add3A_168 : i32
      %mul3A_170 = arith.constant 56 : i32
      %mul3A_171 = arith.muli %add3A_169, %mul3A_170 : i32
      %add3A_172 = arith.addi %mul3A_2, %mul3A_171 : i32
      %dma_wait3A_173 = arith.constant 0 : i32
      %dma_wait3A_174 = tpu.memref_slice %arg4[%add3A_172, %dma_wait3A_173] : memref<250880x256xf32, #tpu.memory_space<hbm>> -> memref<56x256xf32, #tpu.memory_space<hbm>>
      %dma_wait3A_175 = arith.constant 0 : i32
      %dma_wait3A_176 = tpu.memref_slice %arg4[%add3A_172, %dma_wait3A_175] : memref<250880x256xf32, #tpu.memory_space<hbm>> -> memref<56x256xf32, #tpu.memory_space<hbm>>
      tpu.wait_dma2 semaphore(%arg14 : memref<!tpu.dma_semaphore, #tpu.memory_space<semaphore_mem>>) src(%arg6 : memref<56x256xf32, #tpu.memory_space<vmem>>) dst(%dma_wait3A_176 : memref<56x256xf32, #tpu.memory_space<hbm>>)
      %add3A_177 = arith.constant 4 : i32
      %add3A_178 = arith.addi %mul3A_99, %add3A_177 : i32
      %add3A_179 = arith.constant 0 : i32
      %add3A_180 = arith.addi %add3A_178, %add3A_179 : i32
      %mul3A_181 = arith.constant 56 : i32
      %mul3A_182 = arith.muli %add3A_180, %mul3A_181 : i32
      %dma_start3A_183 = tpu.memref_slice %arg5[%mul3A_182] : memref<7840xi32, #tpu.memory_space<vmem>> -> memref<56xi32, #tpu.memory_space<vmem>>
      %dma_start3A_184 = arith.constant 0 : i32
      %dma_start3A_185 = arith.constant 0 : i32
      %dma_start3A_186 = tpu.memref_slice %arg2[%dma_start3A_184, %dma_start3A_185] : memref<10201x256xf32, #tpu.memory_space<hbm>> -> memref<10201x256xf32, #tpu.memory_space<hbm>>
      tpu.enqueue_indirect_dma source(%dma_start3A_186 : memref<10201x256xf32, #tpu.memory_space<hbm>>) target(%arg6 : memref<56x256xf32, #tpu.memory_space<vmem>>) offsets(%dma_start3A_183 : memref<56xi32, #tpu.memory_space<vmem>>) semaphore(%arg10 : memref<!tpu.dma_semaphore, #tpu.memory_space<semaphore_mem>>)
      %add3A_187 = arith.constant 1 : i32
      %add3A_188 = arith.addi %mul3A_99, %add3A_187 : i32
      %mul3A_189 = arith.constant 56 : i32
      %mul3A_190 = arith.muli %add3A_188, %mul3A_189 : i32
      %add3A_191 = arith.addi %mul3A_2, %mul3A_190 : i32
      %dma_wait3A_192 = arith.constant 0 : i32
      %dma_wait3A_193 = tpu.memref_slice %arg4[%add3A_191, %dma_wait3A_192] : memref<250880x256xf32, #tpu.memory_space<hbm>> -> memref<56x256xf32, #tpu.memory_space<hbm>>
      %dma_wait3A_194 = arith.constant 0 : i32
      %dma_wait3A_195 = tpu.memref_slice %arg4[%add3A_191, %dma_wait3A_194] : memref<250880x256xf32, #tpu.memory_space<hbm>> -> memref<56x256xf32, #tpu.memory_space<hbm>>
      tpu.wait_dma2 semaphore(%arg15 : memref<!tpu.dma_semaphore, #tpu.memory_space<semaphore_mem>>) src(%arg7 : memref<56x256xf32, #tpu.memory_space<vmem>>) dst(%dma_wait3A_195 : memref<56x256xf32, #tpu.memory_space<hbm>>)
      %add3A_196 = arith.constant 4 : i32
      %add3A_197 = arith.addi %mul3A_99, %add3A_196 : i32
      %add3A_198 = arith.constant 1 : i32
      %add3A_199 = arith.addi %add3A_197, %add3A_198 : i32
      %mul3A_200 = arith.constant 56 : i32
      %mul3A_201 = arith.muli %add3A_199, %mul3A_200 : i32
      %dma_start3A_202 = tpu.memref_slice %arg5[%mul3A_201] : memref<7840xi32, #tpu.memory_space<vmem>> -> memref<56xi32, #tpu.memory_space<vmem>>
      %dma_start3A_203 = arith.constant 0 : i32
      %dma_start3A_204 = arith.constant 0 : i32
      %dma_start3A_205 = tpu.memref_slice %arg2[%dma_start3A_203, %dma_start3A_204] : memref<10201x256xf32, #tpu.memory_space<hbm>> -> memref<10201x256xf32, #tpu.memory_space<hbm>>
      tpu.enqueue_indirect_dma source(%dma_start3A_205 : memref<10201x256xf32, #tpu.memory_space<hbm>>) target(%arg7 : memref<56x256xf32, #tpu.memory_space<vmem>>) offsets(%dma_start3A_202 : memref<56xi32, #tpu.memory_space<vmem>>) semaphore(%arg11 : memref<!tpu.dma_semaphore, #tpu.memory_space<semaphore_mem>>)
      %add3A_206 = arith.constant 2 : i32
      %add3A_207 = arith.addi %mul3A_99, %add3A_206 : i32
      %mul3A_208 = arith.constant 56 : i32
      %mul3A_209 = arith.muli %add3A_207, %mul3A_208 : i32
      %add3A_210 = arith.addi %mul3A_2, %mul3A_209 : i32
      %dma_wait3A_211 = arith.constant 0 : i32
      %dma_wait3A_212 = tpu.memref_slice %arg4[%add3A_210, %dma_wait3A_211] : memref<250880x256xf32, #tpu.memory_space<hbm>> -> memref<56x256xf32, #tpu.memory_space<hbm>>
      %dma_wait3A_213 = arith.constant 0 : i32
      %dma_wait3A_214 = tpu.memref_slice %arg4[%add3A_210, %dma_wait3A_213] : memref<250880x256xf32, #tpu.memory_space<hbm>> -> memref<56x256xf32, #tpu.memory_space<hbm>>
      tpu.wait_dma2 semaphore(%arg16 : memref<!tpu.dma_semaphore, #tpu.memory_space<semaphore_mem>>) src(%arg8 : memref<56x256xf32, #tpu.memory_space<vmem>>) dst(%dma_wait3A_214 : memref<56x256xf32, #tpu.memory_space<hbm>>)
      %add3A_215 = arith.constant 4 : i32
      %add3A_216 = arith.addi %mul3A_99, %add3A_215 : i32
      %add3A_217 = arith.constant 2 : i32
      %add3A_218 = arith.addi %add3A_216, %add3A_217 : i32
      %mul3A_219 = arith.constant 56 : i32
      %mul3A_220 = arith.muli %add3A_218, %mul3A_219 : i32
      %dma_start3A_221 = tpu.memref_slice %arg5[%mul3A_220] : memref<7840xi32, #tpu.memory_space<vmem>> -> memref<56xi32, #tpu.memory_space<vmem>>
      %dma_start3A_222 = arith.constant 0 : i32
      %dma_start3A_223 = arith.constant 0 : i32
      %dma_start3A_224 = tpu.memref_slice %arg2[%dma_start3A_222, %dma_start3A_223] : memref<10201x256xf32, #tpu.memory_space<hbm>> -> memref<10201x256xf32, #tpu.memory_space<hbm>>
      tpu.enqueue_indirect_dma source(%dma_start3A_224 : memref<10201x256xf32, #tpu.memory_space<hbm>>) target(%arg8 : memref<56x256xf32, #tpu.memory_space<vmem>>) offsets(%dma_start3A_221 : memref<56xi32, #tpu.memory_space<vmem>>) semaphore(%arg12 : memref<!tpu.dma_semaphore, #tpu.memory_space<semaphore_mem>>)
      %add3A_225 = arith.constant 3 : i32
      %add3A_226 = arith.addi %mul3A_99, %add3A_225 : i32
      %mul3A_227 = arith.constant 56 : i32
      %mul3A_228 = arith.muli %add3A_226, %mul3A_227 : i32
      %add3A_229 = arith.addi %mul3A_2, %mul3A_228 : i32
      %dma_wait3A_230 = arith.constant 0 : i32
      %dma_wait3A_231 = tpu.memref_slice %arg4[%add3A_229, %dma_wait3A_230] : memref<250880x256xf32, #tpu.memory_space<hbm>> -> memref<56x256xf32, #tpu.memory_space<hbm>>
      %dma_wait3A_232 = arith.constant 0 : i32
      %dma_wait3A_233 = tpu.memref_slice %arg4[%add3A_229, %dma_wait3A_232] : memref<250880x256xf32, #tpu.memory_space<hbm>> -> memref<56x256xf32, #tpu.memory_space<hbm>>
      tpu.wait_dma2 semaphore(%arg17 : memref<!tpu.dma_semaphore, #tpu.memory_space<semaphore_mem>>) src(%arg9 : memref<56x256xf32, #tpu.memory_space<vmem>>) dst(%dma_wait3A_233 : memref<56x256xf32, #tpu.memory_space<hbm>>)
      %add3A_234 = arith.constant 4 : i32
      %add3A_235 = arith.addi %mul3A_99, %add3A_234 : i32
      %add3A_236 = arith.constant 3 : i32
      %add3A_237 = arith.addi %add3A_235, %add3A_236 : i32
      %mul3A_238 = arith.constant 56 : i32
      %mul3A_239 = arith.muli %add3A_237, %mul3A_238 : i32
      %dma_start3A_240 = tpu.memref_slice %arg5[%mul3A_239] : memref<7840xi32, #tpu.memory_space<vmem>> -> memref<56xi32, #tpu.memory_space<vmem>>
      %dma_start3A_241 = arith.constant 0 : i32
      %dma_start3A_242 = arith.constant 0 : i32
      %dma_start3A_243 = tpu.memref_slice %arg2[%dma_start3A_241, %dma_start3A_242] : memref<10201x256xf32, #tpu.memory_space<hbm>> -> memref<10201x256xf32, #tpu.memory_space<hbm>>
      tpu.enqueue_indirect_dma source(%dma_start3A_243 : memref<10201x256xf32, #tpu.memory_space<hbm>>) target(%arg9 : memref<56x256xf32, #tpu.memory_space<vmem>>) offsets(%dma_start3A_240 : memref<56xi32, #tpu.memory_space<vmem>>) semaphore(%arg13 : memref<!tpu.dma_semaphore, #tpu.memory_space<semaphore_mem>>)
    }
    %scan3A_25 = arith.constant 34 : i32
    %dma_wait3A = arith.constant 7616 : i32
    %dma_wait3A_26 = tpu.memref_slice %arg5[%dma_wait3A] : memref<7840xi32, #tpu.memory_space<vmem>> -> memref<56xi32, #tpu.memory_space<vmem>>
    %dma_wait3A_27 = arith.constant 0 : i32
    %dma_wait3A_28 = arith.constant 0 : i32
    %dma_wait3A_29 = tpu.memref_slice %arg2[%dma_wait3A_27, %dma_wait3A_28] : memref<10201x256xf32, #tpu.memory_space<hbm>> -> memref<10201x256xf32, #tpu.memory_space<hbm>>
    tpu.wait_indirect_dma semaphore(%arg10 : memref<!tpu.dma_semaphore, #tpu.memory_space<semaphore_mem>>) src(%dma_wait3A_29 : memref<10201x256xf32, #tpu.memory_space<hbm>>) dst(%arg6 : memref<56x256xf32, #tpu.memory_space<vmem>>)
    %add3A_30 = arith.constant 7616 : i32
    %add3A_31 = arith.addi %mul3A_2, %add3A_30 : i32
    %dma_start3A_32 = arith.constant 0 : i32
    %dma_start3A_33 = tpu.memref_slice %arg4[%add3A_31, %dma_start3A_32] : memref<250880x256xf32, #tpu.memory_space<hbm>> -> memref<56x256xf32, #tpu.memory_space<hbm>>
    %dma_start3A_34 = arith.constant 0 : i32
    %dma_start3A_35 = tpu.memref_slice %arg4[%add3A_31, %dma_start3A_34] : memref<250880x256xf32, #tpu.memory_space<hbm>> -> memref<56x256xf32, #tpu.memory_space<hbm>>
    tpu.enqueue_dma source(%arg6 : memref<56x256xf32, #tpu.memory_space<vmem>>) target(%dma_start3A_35 : memref<56x256xf32, #tpu.memory_space<hbm>>) target_semaphore(%arg14 : memref<!tpu.dma_semaphore, #tpu.memory_space<semaphore_mem>>)
    %dma_wait3A_36 = arith.constant 7672 : i32
    %dma_wait3A_37 = tpu.memref_slice %arg5[%dma_wait3A_36] : memref<7840xi32, #tpu.memory_space<vmem>> -> memref<56xi32, #tpu.memory_space<vmem>>
    %dma_wait3A_38 = arith.constant 0 : i32
    %dma_wait3A_39 = arith.constant 0 : i32
    %dma_wait3A_40 = tpu.memref_slice %arg2[%dma_wait3A_38, %dma_wait3A_39] : memref<10201x256xf32, #tpu.memory_space<hbm>> -> memref<10201x256xf32, #tpu.memory_space<hbm>>
    tpu.wait_indirect_dma semaphore(%arg11 : memref<!tpu.dma_semaphore, #tpu.memory_space<semaphore_mem>>) src(%dma_wait3A_40 : memref<10201x256xf32, #tpu.memory_space<hbm>>) dst(%arg7 : memref<56x256xf32, #tpu.memory_space<vmem>>)
    %add3A_41 = arith.constant 7672 : i32
    %add3A_42 = arith.addi %mul3A_2, %add3A_41 : i32
    %dma_start3A_43 = arith.constant 0 : i32
    %dma_start3A_44 = tpu.memref_slice %arg4[%add3A_42, %dma_start3A_43] : memref<250880x256xf32, #tpu.memory_space<hbm>> -> memref<56x256xf32, #tpu.memory_space<hbm>>
    %dma_start3A_45 = arith.constant 0 : i32
    %dma_start3A_46 = tpu.memref_slice %arg4[%add3A_42, %dma_start3A_45] : memref<250880x256xf32, #tpu.memory_space<hbm>> -> memref<56x256xf32, #tpu.memory_space<hbm>>
    tpu.enqueue_dma source(%arg7 : memref<56x256xf32, #tpu.memory_space<vmem>>) target(%dma_start3A_46 : memref<56x256xf32, #tpu.memory_space<hbm>>) target_semaphore(%arg15 : memref<!tpu.dma_semaphore, #tpu.memory_space<semaphore_mem>>)
    %dma_wait3A_47 = arith.constant 7728 : i32
    %dma_wait3A_48 = tpu.memref_slice %arg5[%dma_wait3A_47] : memref<7840xi32, #tpu.memory_space<vmem>> -> memref<56xi32, #tpu.memory_space<vmem>>
    %dma_wait3A_49 = arith.constant 0 : i32
    %dma_wait3A_50 = arith.constant 0 : i32
    %dma_wait3A_51 = tpu.memref_slice %arg2[%dma_wait3A_49, %dma_wait3A_50] : memref<10201x256xf32, #tpu.memory_space<hbm>> -> memref<10201x256xf32, #tpu.memory_space<hbm>>
    tpu.wait_indirect_dma semaphore(%arg12 : memref<!tpu.dma_semaphore, #tpu.memory_space<semaphore_mem>>) src(%dma_wait3A_51 : memref<10201x256xf32, #tpu.memory_space<hbm>>) dst(%arg8 : memref<56x256xf32, #tpu.memory_space<vmem>>)
    %add3A_52 = arith.constant 7728 : i32
    %add3A_53 = arith.addi %mul3A_2, %add3A_52 : i32
    %dma_start3A_54 = arith.constant 0 : i32
    %dma_start3A_55 = tpu.memref_slice %arg4[%add3A_53, %dma_start3A_54] : memref<250880x256xf32, #tpu.memory_space<hbm>> -> memref<56x256xf32, #tpu.memory_space<hbm>>
    %dma_start3A_56 = arith.constant 0 : i32
    %dma_start3A_57 = tpu.memref_slice %arg4[%add3A_53, %dma_start3A_56] : memref<250880x256xf32, #tpu.memory_space<hbm>> -> memref<56x256xf32, #tpu.memory_space<hbm>>
    tpu.enqueue_dma source(%arg8 : memref<56x256xf32, #tpu.memory_space<vmem>>) target(%dma_start3A_57 : memref<56x256xf32, #tpu.memory_space<hbm>>) target_semaphore(%arg16 : memref<!tpu.dma_semaphore, #tpu.memory_space<semaphore_mem>>)
    %dma_wait3A_58 = arith.constant 7784 : i32
    %dma_wait3A_59 = tpu.memref_slice %arg5[%dma_wait3A_58] : memref<7840xi32, #tpu.memory_space<vmem>> -> memref<56xi32, #tpu.memory_space<vmem>>
    %dma_wait3A_60 = arith.constant 0 : i32
    %dma_wait3A_61 = arith.constant 0 : i32
    %dma_wait3A_62 = tpu.memref_slice %arg2[%dma_wait3A_60, %dma_wait3A_61] : memref<10201x256xf32, #tpu.memory_space<hbm>> -> memref<10201x256xf32, #tpu.memory_space<hbm>>
    tpu.wait_indirect_dma semaphore(%arg13 : memref<!tpu.dma_semaphore, #tpu.memory_space<semaphore_mem>>) src(%dma_wait3A_62 : memref<10201x256xf32, #tpu.memory_space<hbm>>) dst(%arg9 : memref<56x256xf32, #tpu.memory_space<vmem>>)
    %add3A_63 = arith.constant 7784 : i32
    %add3A_64 = arith.addi %mul3A_2, %add3A_63 : i32
    %dma_start3A_65 = arith.constant 0 : i32
    %dma_start3A_66 = tpu.memref_slice %arg4[%add3A_64, %dma_start3A_65] : memref<250880x256xf32, #tpu.memory_space<hbm>> -> memref<56x256xf32, #tpu.memory_space<hbm>>
    %dma_start3A_67 = arith.constant 0 : i32
    %dma_start3A_68 = tpu.memref_slice %arg4[%add3A_64, %dma_start3A_67] : memref<250880x256xf32, #tpu.memory_space<hbm>> -> memref<56x256xf32, #tpu.memory_space<hbm>>
    tpu.enqueue_dma source(%arg9 : memref<56x256xf32, #tpu.memory_space<vmem>>) target(%dma_start3A_68 : memref<56x256xf32, #tpu.memory_space<hbm>>) target_semaphore(%arg17 : memref<!tpu.dma_semaphore, #tpu.memory_space<semaphore_mem>>)
    %add3A_69 = arith.constant 7616 : i32
    %add3A_70 = arith.addi %mul3A_2, %add3A_69 : i32
    %dma_wait3A_71 = arith.constant 0 : i32
    %dma_wait3A_72 = tpu.memref_slice %arg4[%add3A_70, %dma_wait3A_71] : memref<250880x256xf32, #tpu.memory_space<hbm>> -> memref<56x256xf32, #tpu.memory_space<hbm>>
    %dma_wait3A_73 = arith.constant 0 : i32
    %dma_wait3A_74 = tpu.memref_slice %arg4[%add3A_70, %dma_wait3A_73] : memref<250880x256xf32, #tpu.memory_space<hbm>> -> memref<56x256xf32, #tpu.memory_space<hbm>>
    tpu.wait_dma2 semaphore(%arg14 : memref<!tpu.dma_semaphore, #tpu.memory_space<semaphore_mem>>) src(%arg6 : memref<56x256xf32, #tpu.memory_space<vmem>>) dst(%dma_wait3A_74 : memref<56x256xf32, #tpu.memory_space<hbm>>)
    %add3A_75 = arith.constant 7672 : i32
    %add3A_76 = arith.addi %mul3A_2, %add3A_75 : i32
    %dma_wait3A_77 = arith.constant 0 : i32
    %dma_wait3A_78 = tpu.memref_slice %arg4[%add3A_76, %dma_wait3A_77] : memref<250880x256xf32, #tpu.memory_space<hbm>> -> memref<56x256xf32, #tpu.memory_space<hbm>>
    %dma_wait3A_79 = arith.constant 0 : i32
    %dma_wait3A_80 = tpu.memref_slice %arg4[%add3A_76, %dma_wait3A_79] : memref<250880x256xf32, #tpu.memory_space<hbm>> -> memref<56x256xf32, #tpu.memory_space<hbm>>
    tpu.wait_dma2 semaphore(%arg15 : memref<!tpu.dma_semaphore, #tpu.memory_space<semaphore_mem>>) src(%arg7 : memref<56x256xf32, #tpu.memory_space<vmem>>) dst(%dma_wait3A_80 : memref<56x256xf32, #tpu.memory_space<hbm>>)
    %add3A_81 = arith.constant 7728 : i32
    %add3A_82 = arith.addi %mul3A_2, %add3A_81 : i32
    %dma_wait3A_83 = arith.constant 0 : i32
    %dma_wait3A_84 = tpu.memref_slice %arg4[%add3A_82, %dma_wait3A_83] : memref<250880x256xf32, #tpu.memory_space<hbm>> -> memref<56x256xf32, #tpu.memory_space<hbm>>
    %dma_wait3A_85 = arith.constant 0 : i32
    %dma_wait3A_86 = tpu.memref_slice %arg4[%add3A_82, %dma_wait3A_85] : memref<250880x256xf32, #tpu.memory_space<hbm>> -> memref<56x256xf32, #tpu.memory_space<hbm>>
    tpu.wait_dma2 semaphore(%arg16 : memref<!tpu.dma_semaphore, #tpu.memory_space<semaphore_mem>>) src(%arg8 : memref<56x256xf32, #tpu.memory_space<vmem>>) dst(%dma_wait3A_86 : memref<56x256xf32, #tpu.memory_space<hbm>>)
    %add3A_87 = arith.constant 7784 : i32
    %add3A_88 = arith.addi %mul3A_2, %add3A_87 : i32
    %dma_wait3A_89 = arith.constant 0 : i32
    %dma_wait3A_90 = tpu.memref_slice %arg4[%add3A_88, %dma_wait3A_89] : memref<250880x256xf32, #tpu.memory_space<hbm>> -> memref<56x256xf32, #tpu.memory_space<hbm>>
    %dma_wait3A_91 = arith.constant 0 : i32
    %dma_wait3A_92 = tpu.memref_slice %arg4[%add3A_88, %dma_wait3A_91] : memref<250880x256xf32, #tpu.memory_space<hbm>> -> memref<56x256xf32, #tpu.memory_space<hbm>>
    tpu.wait_dma2 semaphore(%arg17 : memref<!tpu.dma_semaphore, #tpu.memory_space<semaphore_mem>>) src(%arg9 : memref<56x256xf32, #tpu.memory_space<vmem>>) dst(%dma_wait3A_92 : memref<56x256xf32, #tpu.memory_space<hbm>>)
    return
  }
}

module attributes {stable_mosaic.version = 14 : i64} {
  func.func @_nms_kernel(%arg0: memref<32x5120xf32, #tpu.memory_space<vmem>>, %arg1: memref<4x5120xf32, #tpu.memory_space<vmem>>, %arg2: memref<32x100xf32, #tpu.memory_space<vmem>>, %arg3: memref<4x32x100xf32, #tpu.memory_space<vmem>>) attributes {dimension_semantics = [], scalar_prefetch = 0 : i64, scratch_operands = 0 : i64, tpu.core_type = #tpu.core_type<tc>} {
    %get3A = arith.constant 0 : index
    %get3A_0 = arith.constant 0 : index
    %get3A_1 = vector.load %arg0[%get3A, %get3A_0] : memref<32x5120xf32, #tpu.memory_space<vmem>>, vector<32x5120xf32>
    %get3A_2 = arith.constant 0 : index
    %get3A_3 = arith.constant 0 : index
    %get3A_4 = vector.load %arg1[%get3A_2, %get3A_3] : memref<4x5120xf32, #tpu.memory_space<vmem>>, vector<1x5120xf32>
    %get3A_5 = arith.constant 1 : index
    %get3A_6 = arith.constant 0 : index
    %get3A_7 = vector.load %arg1[%get3A_5, %get3A_6] : memref<4x5120xf32, #tpu.memory_space<vmem>>, vector<1x5120xf32>
    %get3A_8 = arith.constant 2 : index
    %get3A_9 = arith.constant 0 : index
    %get3A_10 = vector.load %arg1[%get3A_8, %get3A_9] : memref<4x5120xf32, #tpu.memory_space<vmem>>, vector<1x5120xf32>
    %get3A_11 = arith.constant 3 : index
    %get3A_12 = arith.constant 0 : index
    %get3A_13 = vector.load %arg1[%get3A_11, %get3A_12] : memref<4x5120xf32, #tpu.memory_space<vmem>>, vector<1x5120xf32>
    %sub3A = arith.subf %get3A_10, %get3A_4 : vector<1x5120xf32>
    %sub3A_14 = arith.subf %get3A_13, %get3A_7 : vector<1x5120xf32>
    %mul3A = arith.mulf %sub3A, %sub3A_14 : vector<1x5120xf32>
    %iota3A = tpu.iota {dimensions = array<i32: 1>} : vector<32x5120xi32>
    %iota3A_15 = tpu.iota {dimensions = array<i32: 1>} : vector<32x100xi32>
    %broadcast_in_dim3A = arith.constant 0.000000e+00 : f32
    %broadcast_in_dim3A_16 = vector.broadcast %broadcast_in_dim3A : f32 to vector<32x100xf32>
    %swap3A = arith.constant 0 : index
    %swap3A_17 = arith.constant 0 : index
    %swap3A_18 = vector.load %arg2[%swap3A, %swap3A_17] : memref<32x100xf32, #tpu.memory_space<vmem>>, vector<32x100xf32>
    tpu.vector_store %arg2[%swap3A, %swap3A_17], %broadcast_in_dim3A_16 {strides = array<i32>} : memref<32x100xf32, #tpu.memory_space<vmem>>, vector<32x100xf32>,
    %broadcast_in_dim3A_19 = arith.constant 0.000000e+00 : f32
    %broadcast_in_dim3A_20 = vector.broadcast %broadcast_in_dim3A_19 : f32 to vector<32x100xf32>
    %swap3A_21 = arith.constant 0 : index
    %swap3A_22 = arith.constant 0 : index
    %swap3A_23 = arith.constant 0 : index
    %swap3A_24 = vector.load %arg3[%swap3A_21, %swap3A_22, %swap3A_23] : memref<4x32x100xf32, #tpu.memory_space<vmem>>, vector<1x32x100xf32>
    %swap3A_25 = vector.shape_cast %swap3A_24 : vector<1x32x100xf32> to vector<32x100xf32>
    %swap3A_26 = vector.shape_cast %broadcast_in_dim3A_20 : vector<32x100xf32> to vector<1x32x100xf32>
    tpu.vector_store %arg3[%swap3A_21, %swap3A_22, %swap3A_23], %swap3A_26 {strides = array<i32>} : memref<4x32x100xf32, #tpu.memory_space<vmem>>, vector<1x32x100xf32>,
    %broadcast_in_dim3A_27 = arith.constant 0.000000e+00 : f32
    %broadcast_in_dim3A_28 = vector.broadcast %broadcast_in_dim3A_27 : f32 to vector<32x100xf32>
    %swap3A_29 = arith.constant 1 : index
    %swap3A_30 = arith.constant 0 : index
    %swap3A_31 = arith.constant 0 : index
    %swap3A_32 = vector.load %arg3[%swap3A_29, %swap3A_30, %swap3A_31] : memref<4x32x100xf32, #tpu.memory_space<vmem>>, vector<1x32x100xf32>
    %swap3A_33 = vector.shape_cast %swap3A_32 : vector<1x32x100xf32> to vector<32x100xf32>
    %swap3A_34 = vector.shape_cast %broadcast_in_dim3A_28 : vector<32x100xf32> to vector<1x32x100xf32>
    tpu.vector_store %arg3[%swap3A_29, %swap3A_30, %swap3A_31], %swap3A_34 {strides = array<i32>} : memref<4x32x100xf32, #tpu.memory_space<vmem>>, vector<1x32x100xf32>,
    %broadcast_in_dim3A_35 = arith.constant 0.000000e+00 : f32
    %broadcast_in_dim3A_36 = vector.broadcast %broadcast_in_dim3A_35 : f32 to vector<32x100xf32>
    %swap3A_37 = arith.constant 2 : index
    %swap3A_38 = arith.constant 0 : index
    %swap3A_39 = arith.constant 0 : index
    %swap3A_40 = vector.load %arg3[%swap3A_37, %swap3A_38, %swap3A_39] : memref<4x32x100xf32, #tpu.memory_space<vmem>>, vector<1x32x100xf32>
    %swap3A_41 = vector.shape_cast %swap3A_40 : vector<1x32x100xf32> to vector<32x100xf32>
    %swap3A_42 = vector.shape_cast %broadcast_in_dim3A_36 : vector<32x100xf32> to vector<1x32x100xf32>
    tpu.vector_store %arg3[%swap3A_37, %swap3A_38, %swap3A_39], %swap3A_42 {strides = array<i32>} : memref<4x32x100xf32, #tpu.memory_space<vmem>>, vector<1x32x100xf32>,
    %broadcast_in_dim3A_43 = arith.constant 0.000000e+00 : f32
    %broadcast_in_dim3A_44 = vector.broadcast %broadcast_in_dim3A_43 : f32 to vector<32x100xf32>
    %swap3A_45 = arith.constant 3 : index
    %swap3A_46 = arith.constant 0 : index
    %swap3A_47 = arith.constant 0 : index
    %swap3A_48 = vector.load %arg3[%swap3A_45, %swap3A_46, %swap3A_47] : memref<4x32x100xf32, #tpu.memory_space<vmem>>, vector<1x32x100xf32>
    %swap3A_49 = vector.shape_cast %swap3A_48 : vector<1x32x100xf32> to vector<32x100xf32>
    %swap3A_50 = vector.shape_cast %broadcast_in_dim3A_44 : vector<32x100xf32> to vector<1x32x100xf32>
    tpu.vector_store %arg3[%swap3A_45, %swap3A_46, %swap3A_47], %swap3A_50 {strides = array<i32>} : memref<4x32x100xf32, #tpu.memory_space<vmem>>, vector<1x32x100xf32>,
    %scan3A = arith.constant 0 : i32
    %scan3A_51 = arith.constant 100 : i32
    %scan3A_52 = arith.addi %scan3A, %scan3A_51 : i32
    %scan3A_53 = arith.constant 1 : i32
    %scan3A_54 = scf.for %scan3A_56 = %scan3A to %scan3A_52 step %scan3A_53 iter_args(%scan3A_57 = %get3A_1) -> (vector<32x5120xf32>)  : i32 {
      %reduce_max3A = arith.constant dense<0xFF800000> : vector<32xf32>
      %reduce_max3A_58 = vector.multi_reduction <maximumf>, %scan3A_57, %reduce_max3A [1] : vector<32x5120xf32> to vector<32xf32>
      %broadcast_in_dim3A_59 = vector.shape_cast %reduce_max3A_58 : vector<32xf32> to vector<32x1xf32>
      %eq3A = vector.broadcast %broadcast_in_dim3A_59 : vector<32x1xf32> to vector<32x5120xf32>
      %eq3A_60 = arith.cmpf oeq, %scan3A_57, %eq3A : vector<32x5120xf32>
      %jit3A = arith.constant 5120 : i32
      %broadcast_in_dim3A_61 = vector.broadcast %jit3A : i32 to vector<32x5120xi32>
      %select_n3A = arith.select %eq3A_60, %iota3A, %broadcast_in_dim3A_61 : vector<32x5120xi1>, vector<32x5120xi32>
      %reduce_min3A = arith.constant dense<2147483647> : vector<32xi32>
      %reduce_min3A_62 = vector.multi_reduction <minsi>, %select_n3A, %reduce_min3A [1] : vector<32x5120xi32> to vector<32xi32>
      %broadcast_in_dim3A_63 = vector.shape_cast %reduce_min3A_62 : vector<32xi32> to vector<32x1xi32>
      %eq3A_64 = vector.broadcast %broadcast_in_dim3A_63 : vector<32x1xi32> to vector<32x5120xi32>
      %eq3A_65 = arith.cmpi eq, %iota3A, %eq3A_64 : vector<32x5120xi32>
      %broadcast_in_dim3A_66 = arith.constant 0.000000e+00 : f32
      %broadcast_in_dim3A_67 = vector.broadcast %broadcast_in_dim3A_66 : f32 to vector<32x5120xf32>
      %broadcast_in_dim3A_68 = vector.shape_cast %get3A_4 : vector<1x5120xf32> to vector<1x5120xf32>
      %broadcast_in_dim3A_69 = vector.broadcast %broadcast_in_dim3A_68 : vector<1x5120xf32> to vector<32x5120xf32>
      %select_n3A_70 = arith.select %eq3A_65, %broadcast_in_dim3A_69, %broadcast_in_dim3A_67 : vector<32x5120xi1>, vector<32x5120xf32>
      %reduce_sum3A = arith.constant dense<0.000000e+00> : vector<32xf32>
      %reduce_sum3A_71 = vector.multi_reduction <add>, %select_n3A_70, %reduce_sum3A [1] : vector<32x5120xf32> to vector<32xf32>
      %broadcast_in_dim3A_72 = vector.shape_cast %reduce_sum3A_71 : vector<32xf32> to vector<32x1xf32>
      %broadcast_in_dim3A_73 = vector.shape_cast %get3A_7 : vector<1x5120xf32> to vector<1x5120xf32>
      %broadcast_in_dim3A_74 = vector.broadcast %broadcast_in_dim3A_73 : vector<1x5120xf32> to vector<32x5120xf32>
      %select_n3A_75 = arith.select %eq3A_65, %broadcast_in_dim3A_74, %broadcast_in_dim3A_67 : vector<32x5120xi1>, vector<32x5120xf32>
      %reduce_sum3A_76 = arith.constant dense<0.000000e+00> : vector<32xf32>
      %reduce_sum3A_77 = vector.multi_reduction <add>, %select_n3A_75, %reduce_sum3A_76 [1] : vector<32x5120xf32> to vector<32xf32>
      %broadcast_in_dim3A_78 = vector.shape_cast %reduce_sum3A_77 : vector<32xf32> to vector<32x1xf32>
      %broadcast_in_dim3A_79 = vector.shape_cast %get3A_10 : vector<1x5120xf32> to vector<1x5120xf32>
      %broadcast_in_dim3A_80 = vector.broadcast %broadcast_in_dim3A_79 : vector<1x5120xf32> to vector<32x5120xf32>
      %select_n3A_81 = arith.select %eq3A_65, %broadcast_in_dim3A_80, %broadcast_in_dim3A_67 : vector<32x5120xi1>, vector<32x5120xf32>
      %reduce_sum3A_82 = arith.constant dense<0.000000e+00> : vector<32xf32>
      %reduce_sum3A_83 = vector.multi_reduction <add>, %select_n3A_81, %reduce_sum3A_82 [1] : vector<32x5120xf32> to vector<32xf32>
      %broadcast_in_dim3A_84 = vector.shape_cast %reduce_sum3A_83 : vector<32xf32> to vector<32x1xf32>
      %broadcast_in_dim3A_85 = vector.shape_cast %get3A_13 : vector<1x5120xf32> to vector<1x5120xf32>
      %broadcast_in_dim3A_86 = vector.broadcast %broadcast_in_dim3A_85 : vector<1x5120xf32> to vector<32x5120xf32>
      %select_n3A_87 = arith.select %eq3A_65, %broadcast_in_dim3A_86, %broadcast_in_dim3A_67 : vector<32x5120xi1>, vector<32x5120xf32>
      %reduce_sum3A_88 = arith.constant dense<0.000000e+00> : vector<32xf32>
      %reduce_sum3A_89 = vector.multi_reduction <add>, %select_n3A_87, %reduce_sum3A_88 [1] : vector<32x5120xf32> to vector<32xf32>
      %broadcast_in_dim3A_90 = vector.shape_cast %reduce_sum3A_89 : vector<32xf32> to vector<32x1xf32>
      %max3A = vector.broadcast %broadcast_in_dim3A_72 : vector<32x1xf32> to vector<32x5120xf32>
      %max3A_91 = vector.broadcast %get3A_4 : vector<1x5120xf32> to vector<32x5120xf32>
      %max3A_92 = arith.maximumf %max3A, %max3A_91 : vector<32x5120xf32>
      %max3A_93 = vector.broadcast %broadcast_in_dim3A_78 : vector<32x1xf32> to vector<32x5120xf32>
      %max3A_94 = vector.broadcast %get3A_7 : vector<1x5120xf32> to vector<32x5120xf32>
      %max3A_95 = arith.maximumf %max3A_93, %max3A_94 : vector<32x5120xf32>
      %min3A = vector.broadcast %broadcast_in_dim3A_84 : vector<32x1xf32> to vector<32x5120xf32>
      %min3A_96 = vector.broadcast %get3A_10 : vector<1x5120xf32> to vector<32x5120xf32>
      %min3A_97 = arith.minimumf %min3A, %min3A_96 : vector<32x5120xf32>
      %min3A_98 = vector.broadcast %broadcast_in_dim3A_90 : vector<32x1xf32> to vector<32x5120xf32>
      %min3A_99 = vector.broadcast %get3A_13 : vector<1x5120xf32> to vector<32x5120xf32>
      %min3A_100 = arith.minimumf %min3A_98, %min3A_99 : vector<32x5120xf32>
      %sub3A_101 = arith.subf %min3A_97, %max3A_92 : vector<32x5120xf32>
      %max3A_102 = arith.constant 0.000000e+00 : f32
      %max3A_103 = vector.broadcast %max3A_102 : f32 to vector<32x5120xf32>
      %max3A_104 = arith.maximumf %sub3A_101, %max3A_103 : vector<32x5120xf32>
      %sub3A_105 = arith.subf %min3A_100, %max3A_95 : vector<32x5120xf32>
      %max3A_106 = arith.constant 0.000000e+00 : f32
      %max3A_107 = vector.broadcast %max3A_106 : f32 to vector<32x5120xf32>
      %max3A_108 = arith.maximumf %sub3A_105, %max3A_107 : vector<32x5120xf32>
      %mul3A_109 = arith.mulf %max3A_104, %max3A_108 : vector<32x5120xf32>
      %sub3A_110 = arith.subf %broadcast_in_dim3A_84, %broadcast_in_dim3A_72 : vector<32x1xf32>
      %sub3A_111 = arith.subf %broadcast_in_dim3A_90, %broadcast_in_dim3A_78 : vector<32x1xf32>
      %mul3A_112 = arith.mulf %sub3A_110, %sub3A_111 : vector<32x1xf32>
      %add3A = vector.broadcast %mul3A_112 : vector<32x1xf32> to vector<32x5120xf32>
      %add3A_113 = vector.broadcast %mul3A : vector<1x5120xf32> to vector<32x5120xf32>
      %add3A_114 = arith.addf %add3A, %add3A_113 : vector<32x5120xf32>
      %sub3A_115 = arith.subf %add3A_114, %mul3A_109 : vector<32x5120xf32>
      %add3A_116 = arith.constant 9.99999971E-10 : f32
      %add3A_117 = vector.broadcast %add3A_116 : f32 to vector<32x5120xf32>
      %add3A_118 = arith.addf %sub3A_115, %add3A_117 : vector<32x5120xf32>
      %div3A = arith.divf %mul3A_109, %add3A_118 : vector<32x5120xf32>
      %gt3A = arith.constant 5.000000e-01 : f32
      %gt3A_119 = vector.broadcast %gt3A : f32 to vector<32x5120xf32>
      %gt3A_120 = arith.cmpf ogt, %div3A, %gt3A_119 : vector<32x5120xf32>
      %jit3A_121 = arith.constant -1.000000e+09 : f32
      %broadcast_in_dim3A_122 = vector.broadcast %jit3A_121 : f32 to vector<32x5120xf32>
      %select_n3A_123 = arith.select %gt3A_120, %broadcast_in_dim3A_122, %scan3A_57 : vector<32x5120xi1>, vector<32x5120xf32>
      %jit3A_124 = arith.constant -1.000000e+09 : f32
      %broadcast_in_dim3A_125 = vector.broadcast %jit3A_124 : f32 to vector<32x5120xf32>
      %select_n3A_126 = arith.select %eq3A_65, %broadcast_in_dim3A_125, %select_n3A_123 : vector<32x5120xi1>, vector<32x5120xf32>
      %eq3A_127 = vector.broadcast %scan3A_56 : i32 to vector<32x100xi32>
      %eq3A_128 = arith.cmpi eq, %iota3A_15, %eq3A_127 : vector<32x100xi32>
      %get3A_129 = arith.constant 0 : index
      %get3A_130 = arith.constant 0 : index
      %get3A_131 = vector.load %arg2[%get3A_129, %get3A_130] : memref<32x100xf32, #tpu.memory_space<vmem>>, vector<32x100xf32>
      %broadcast_in_dim3A_132 = vector.shape_cast %broadcast_in_dim3A_59 : vector<32x1xf32> to vector<32x1xf32>
      %broadcast_in_dim3A_133 = vector.broadcast %broadcast_in_dim3A_132 : vector<32x1xf32> to vector<32x100xf32>
      %select_n3A_134 = arith.select %eq3A_128, %broadcast_in_dim3A_133, %get3A_131 : vector<32x100xi1>, vector<32x100xf32>
      %swap3A_135 = arith.constant 0 : index
      %swap3A_136 = arith.constant 0 : index
      %swap3A_137 = vector.load %arg2[%swap3A_135, %swap3A_136] : memref<32x100xf32, #tpu.memory_space<vmem>>, vector<32x100xf32>
      tpu.vector_store %arg2[%swap3A_135, %swap3A_136], %select_n3A_134 {strides = array<i32>} : memref<32x100xf32, #tpu.memory_space<vmem>>, vector<32x100xf32>,
      %get3A_138 = arith.constant 0 : index
      %get3A_139 = arith.constant 0 : index
      %get3A_140 = arith.constant 0 : index
      %get3A_141 = vector.load %arg3[%get3A_138, %get3A_139, %get3A_140] : memref<4x32x100xf32, #tpu.memory_space<vmem>>, vector<1x32x100xf32>
      %get3A_142 = vector.shape_cast %get3A_141 : vector<1x32x100xf32> to vector<32x100xf32>
      %broadcast_in_dim3A_143 = vector.shape_cast %broadcast_in_dim3A_72 : vector<32x1xf32> to vector<32x1xf32>
      %broadcast_in_dim3A_144 = vector.broadcast %broadcast_in_dim3A_143 : vector<32x1xf32> to vector<32x100xf32>
      %select_n3A_145 = arith.select %eq3A_128, %broadcast_in_dim3A_144, %get3A_142 : vector<32x100xi1>, vector<32x100xf32>
      %swap3A_146 = arith.constant 0 : index
      %swap3A_147 = arith.constant 0 : index
      %swap3A_148 = arith.constant 0 : index
      %swap3A_149 = vector.load %arg3[%swap3A_146, %swap3A_147, %swap3A_148] : memref<4x32x100xf32, #tpu.memory_space<vmem>>, vector<1x32x100xf32>
      %swap3A_150 = vector.shape_cast %swap3A_149 : vector<1x32x100xf32> to vector<32x100xf32>
      %swap3A_151 = vector.shape_cast %select_n3A_145 : vector<32x100xf32> to vector<1x32x100xf32>
      tpu.vector_store %arg3[%swap3A_146, %swap3A_147, %swap3A_148], %swap3A_151 {strides = array<i32>} : memref<4x32x100xf32, #tpu.memory_space<vmem>>, vector<1x32x100xf32>,
      %get3A_152 = arith.constant 1 : index
      %get3A_153 = arith.constant 0 : index
      %get3A_154 = arith.constant 0 : index
      %get3A_155 = vector.load %arg3[%get3A_152, %get3A_153, %get3A_154] : memref<4x32x100xf32, #tpu.memory_space<vmem>>, vector<1x32x100xf32>
      %get3A_156 = vector.shape_cast %get3A_155 : vector<1x32x100xf32> to vector<32x100xf32>
      %broadcast_in_dim3A_157 = vector.shape_cast %broadcast_in_dim3A_78 : vector<32x1xf32> to vector<32x1xf32>
      %broadcast_in_dim3A_158 = vector.broadcast %broadcast_in_dim3A_157 : vector<32x1xf32> to vector<32x100xf32>
      %select_n3A_159 = arith.select %eq3A_128, %broadcast_in_dim3A_158, %get3A_156 : vector<32x100xi1>, vector<32x100xf32>
      %swap3A_160 = arith.constant 1 : index
      %swap3A_161 = arith.constant 0 : index
      %swap3A_162 = arith.constant 0 : index
      %swap3A_163 = vector.load %arg3[%swap3A_160, %swap3A_161, %swap3A_162] : memref<4x32x100xf32, #tpu.memory_space<vmem>>, vector<1x32x100xf32>
      %swap3A_164 = vector.shape_cast %swap3A_163 : vector<1x32x100xf32> to vector<32x100xf32>
      %swap3A_165 = vector.shape_cast %select_n3A_159 : vector<32x100xf32> to vector<1x32x100xf32>
      tpu.vector_store %arg3[%swap3A_160, %swap3A_161, %swap3A_162], %swap3A_165 {strides = array<i32>} : memref<4x32x100xf32, #tpu.memory_space<vmem>>, vector<1x32x100xf32>,
      %get3A_166 = arith.constant 2 : index
      %get3A_167 = arith.constant 0 : index
      %get3A_168 = arith.constant 0 : index
      %get3A_169 = vector.load %arg3[%get3A_166, %get3A_167, %get3A_168] : memref<4x32x100xf32, #tpu.memory_space<vmem>>, vector<1x32x100xf32>
      %get3A_170 = vector.shape_cast %get3A_169 : vector<1x32x100xf32> to vector<32x100xf32>
      %broadcast_in_dim3A_171 = vector.shape_cast %broadcast_in_dim3A_84 : vector<32x1xf32> to vector<32x1xf32>
      %broadcast_in_dim3A_172 = vector.broadcast %broadcast_in_dim3A_171 : vector<32x1xf32> to vector<32x100xf32>
      %select_n3A_173 = arith.select %eq3A_128, %broadcast_in_dim3A_172, %get3A_170 : vector<32x100xi1>, vector<32x100xf32>
      %swap3A_174 = arith.constant 2 : index
      %swap3A_175 = arith.constant 0 : index
      %swap3A_176 = arith.constant 0 : index
      %swap3A_177 = vector.load %arg3[%swap3A_174, %swap3A_175, %swap3A_176] : memref<4x32x100xf32, #tpu.memory_space<vmem>>, vector<1x32x100xf32>
      %swap3A_178 = vector.shape_cast %swap3A_177 : vector<1x32x100xf32> to vector<32x100xf32>
      %swap3A_179 = vector.shape_cast %select_n3A_173 : vector<32x100xf32> to vector<1x32x100xf32>
      tpu.vector_store %arg3[%swap3A_174, %swap3A_175, %swap3A_176], %swap3A_179 {strides = array<i32>} : memref<4x32x100xf32, #tpu.memory_space<vmem>>, vector<1x32x100xf32>,
      %get3A_180 = arith.constant 3 : index
      %get3A_181 = arith.constant 0 : index
      %get3A_182 = arith.constant 0 : index
      %get3A_183 = vector.load %arg3[%get3A_180, %get3A_181, %get3A_182] : memref<4x32x100xf32, #tpu.memory_space<vmem>>, vector<1x32x100xf32>
      %get3A_184 = vector.shape_cast %get3A_183 : vector<1x32x100xf32> to vector<32x100xf32>
      %broadcast_in_dim3A_185 = vector.shape_cast %broadcast_in_dim3A_90 : vector<32x1xf32> to vector<32x1xf32>
      %broadcast_in_dim3A_186 = vector.broadcast %broadcast_in_dim3A_185 : vector<32x1xf32> to vector<32x100xf32>
      %select_n3A_187 = arith.select %eq3A_128, %broadcast_in_dim3A_186, %get3A_184 : vector<32x100xi1>, vector<32x100xf32>
      %swap3A_188 = arith.constant 3 : index
      %swap3A_189 = arith.constant 0 : index
      %swap3A_190 = arith.constant 0 : index
      %swap3A_191 = vector.load %arg3[%swap3A_188, %swap3A_189, %swap3A_190] : memref<4x32x100xf32, #tpu.memory_space<vmem>>, vector<1x32x100xf32>
      %swap3A_192 = vector.shape_cast %swap3A_191 : vector<1x32x100xf32> to vector<32x100xf32>
      %swap3A_193 = vector.shape_cast %select_n3A_187 : vector<32x100xf32> to vector<1x32x100xf32>
      tpu.vector_store %arg3[%swap3A_188, %swap3A_189, %swap3A_190], %swap3A_193 {strides = array<i32>} : memref<4x32x100xf32, #tpu.memory_space<vmem>>, vector<1x32x100xf32>,
      scf.yield %select_n3A_126 : vector<32x5120xf32>
    }
    %scan3A_55 = arith.constant 100 : i32
    return
  }
}

</mosaic_0001>

<sc_bundles>
// kernel: kernel.4.cloned.1.call-start
scs
__scs_entry_jumppad:
0x0: {  	(pc) =	sbr.rel $0x88, $3  }
0x1: {  	(tag) =	ssettag $0x0;
	lr =	simm.s32 $0x1  }
0x2: {  	[smem:$0x3F9B] =	sst lr;
	_ =	strace $0xD0000000  }
0x3: {  	_ = 	snop  }
0x4: {  	_ = 	snop  }
0x5: {  	_ = 	snop  }
0x6: {  	_ = 	snop  }
0x7: {  	_ = 	snop  }
__scs_overlays_trampoline_lowered:
0x8: {  	[smem:$0x3FAA] =	sst s0  }
0x9: {  	[smem:$0x3FAB] =	sst s1  }
0xa: {  	[smem:$0x3FAC] =	sst s2  }
0xb: {  	[smem:$0x3FAD] =	sst s3  }
0xc: {  	[smem:$0x3FAE] =	sst s4  }
0xd: {  	[smem:$0x3FAF] =	sst s5  }
0xe: {  	[smem:$0x3FB0] =	sst s6  }
0xf: {  	[smem:$0x3FB1] =	sst s7  }
0x10: {  	[smem:$0x3FB2] =	sst s8  }
0x11: {  	[smem:$0x3FB3] =	sst s9;
	s0 =	simm.s32 @!p0 $0x0  }
0x12: {  	s1 =	sld [smem:$0x3F99];
	s0 =	simm.s32 @p0 $0x1  }
0x13: {  	[smem:$0x3FB4] =	sst s0;
	s0 =	simm.s32 @!p1 $0x0  }
0x14: {  	s2 =	sld [smem:$0x3F98];
	s0 =	simm.s32 @p1 $0x1  }
0x15: {  	[smem:$0x3FB5] =	sst s0;
	s0 =	simm.s32 @!p2 $0x0  }
0x16: {  	s3 =	sld [smem:$0x3FDB];
	s0 =	simm.s32 @p2 $0x1  }
0x17: {  	s4 =	simm.s32 $0x1BF5;
	[smem:$0x3FB7] =	sst s0  }
0x18: {  	s0 =	sld [smem:$0x3F9A];
	_ =	swait.ge [sflag:s4], $0x0  }
0x19: {  	s7 =	sld [smem:$0x3F9B]  }
0x1a: {  	s8 =	sadd.s32 $0xFFFFE003, lr  }
0x1b: {  	s9 =	sadd.s32 $0xFFFFFEF7, lr;
	s5 =	simm.s32 $0xFFFFFFFF;
	p2 =	slt.u32 s8, $0xFFFFF086  }
0x1c: {  	p1 =	slt.u32 s9, $0xF7A;
	s5 =	simm.s32 @!p2 $0x0  }
0x1d: {  	s5 =	simm.s32 @p1 $0x1;
	p0 =	seq.s32 s7, s2  }
0x1e: {  	s7 =	smul.u32 @!p0 $0xF7A, s2;
	p2 =	seq.s32 @!p0 s5, $0x0  }
0x1f: {  	s9 =	smul.u32 $0xF7A, s1;
	s8 =	simm.s32 @!p0 $0x1BF5;
	p2 =	por !p2, p0  }
0x20: {  	[sflag:s8] =	ssyncset.s32 @!p0 $0xFFFFF086;
	s6 =	sadd.s32 @!p0 s3, s7;
	s7 =	simm.s32 @!p0 $0x108  }
0x21: {  	s3 =	sadd.s32 s3, s9;
	s6 =	sadd.s32 @!p0 $0x88, s6;
	s7 =	simm.s32 @p2 $0x1082  }
0x22: {  	[simem:s7], [sflag:s8] =	dma.local @!p0 [hbm:s6], $0xF7A  }
0x23: {  	s9 =	sor.u32 $0xD0000000, s2;
	s6 =	simm.s32 $0x108;
	_ =	swait.ge @!p0 [sflag:s8], $0x0  }
0x24: {  	s3 =	sadd.s32 $0x88, s3;
	s6 =	simm.s32 @!p1 $0x1082;
	[sflag:s4] =	ssyncset.s32 $0xFFFFF086  }
0x25: {  	[simem:s6], [sflag:s4] =	dma.local [hbm:s3], $0xF7A  }
0x26: {  	[smem:$0x3F9B] =	sst s1;
	(tag) =	ssettag s2;
	_ =	strace s9  }
0x27: {  	s1 =	sld [smem:$0x3FAB]  }
0x28: {  	s2 =	sld [smem:$0x3FAC]  }
0x29: {  	s4 =	sld [smem:$0x3FAE]  }
0x2a: {  	p0 =	seq.s32 s5, $0x0;
	s5 =	sld [smem:$0x3FAF]  }
0x2b: {  	s6 =	sld [smem:$0x3FB0]  }
0x2c: {  	s7 =	sld [smem:$0x3FB1]  }
0x2d: {  	s3 =	simm.s32 $0x108;
	s8 =	sld [smem:$0x3FB2]  }
0x2e: {  	s3 =	simm.s32 @!p0 $0x1082;
	s9 =	sld [smem:$0x3FB3]  }
0x2f: {  	lr =	sadd.s32 s0, s3;
	s0 =	sld [smem:$0x3FAA]  }
0x30: {  	s3 =	sld [smem:$0x3FAD]  }
0x31: {  	[smem:$0x3FB6] =	sst s10  }
0x32: {  	s10 =	sld [smem:$0x3FB4];
	_ =	sdelay $0x3  }
0x33: {  	p0 =	seq.s32 s10, $0x1;
	s10 =	sld [smem:$0x3FB6];
	_ =	sdelay $0x3  }
0x34: {  	[smem:$0x3FB6] =	sst s10  }
0x35: {  	s10 =	sld [smem:$0x3FB5];
	_ =	sdelay $0x3  }
0x36: {  	p1 =	seq.s32 s10, $0x1;
	s10 =	sld [smem:$0x3FB6];
	_ =	sdelay $0x3  }
0x37: {  	[smem:$0x3FB6] =	sst s10  }
0x38: {  	s10 =	sld [smem:$0x3FB7]  }
0x39: {  	_ = 	snop;
	(pc) =	sbr.ind lr, $3  }
0x3a: {  	_ = 	snop  }
0x3b: {  	_ = 	snop  }
0x3c: {  	p2 =	seq.s32 s10, $0x1;
	s10 =	sld [smem:$0x3FB6]  }
0x3d: {  	_ =	shalt  }
0x3e: {  	_ =	shalt  }
0x3f: {  	_ =	shalt  }
0x40: {  	_ =	shalt  }
0x41: {  	_ =	shalt  }
0x42: {  	_ =	shalt  }
0x43: {  	_ =	shalt  }
0x44: {  	_ =	shalt  }
0x45: {  	_ =	shalt  }
0x46: {  	_ =	shalt  }
0x47: {  	_ =	shalt  }
0x48: {  	_ =	shalt  }
0x49: {  	_ =	shalt  }
0x4a: {  	_ =	shalt  }
0x4b: {  	_ =	shalt  }
0x4c: {  	_ =	shalt  }
0x4d: {  	_ =	shalt  }
0x4e: {  	_ =	shalt  }
0x4f: {  	_ =	shalt  }
0x50: {  	_ =	shalt  }
0x51: {  	_ =	shalt  }
0x52: {  	_ =	shalt  }
0x53: {  	_ =	shalt  }
0x54: {  	_ =	shalt  }
0x55: {  	_ =	shalt  }
0x56: {  	_ =	shalt  }
0x57: {  	_ =	shalt  }
0x58: {  	_ =	shalt  }
0x59: {  	_ =	shalt  }
0x5a: {  	_ =	shalt  }
0x5b: {  	_ =	shalt  }
0x5c: {  	_ =	shalt  }
0x5d: {  	_ =	shalt  }
0x5e: {  	_ =	shalt  }
0x5f: {  	_ =	shalt  }
0x60: {  	_ =	shalt  }
0x61: {  	_ =	shalt  }
0x62: {  	_ =	shalt  }
0x63: {  	_ =	shalt  }
0x64: {  	_ =	shalt  }
0x65: {  	_ =	shalt  }
0x66: {  	_ =	shalt  }
0x67: {  	_ =	shalt  }
0x68: {  	_ =	shalt  }
0x69: {  	_ =	shalt  }
0x6a: {  	_ =	shalt  }
0x6b: {  	_ =	shalt  }
0x6c: {  	_ =	shalt  }
0x6d: {  	_ =	shalt  }
0x6e: {  	_ =	shalt  }
0x6f: {  	_ =	shalt  }
0x70: {  	_ =	shalt  }
0x71: {  	_ =	shalt  }
0x72: {  	_ =	shalt  }
0x73: {  	_ =	shalt  }
0x74: {  	_ =	shalt  }
0x75: {  	_ =	shalt  }
0x76: {  	_ =	shalt  }
0x77: {  	_ =	shalt  }
0x78: {  	_ =	shalt  }
0x79: {  	_ =	shalt  }
0x7a: {  	_ =	shalt  }
0x7b: {  	_ =	shalt  }
0x7c: {  	_ =	shalt  }
0x7d: {  	_ =	shalt  }
0x7e: {  	_ =	shalt  }
0x7f: {  	_ =	shalt  }
0x80: {  	_ =	shalt  }
0x81: {  	_ =	shalt  }
0x82: {  	_ =	shalt  }
0x83: {  	_ =	shalt  }
0x84: {  	_ =	shalt  }
0x85: {  	_ =	shalt  }
0x86: {  	_ =	shalt  }
0x87: {  	_ =	shalt  }
.Lfunc_end0:
.L_simem_size_0:
called_computation_lowered:
.L_overlay_start_0:
0x88: {  	s2 =	sld [smem:$0x3FD9]  }
0x89: {  	s3 =	sld [smem:$0x3FFE];
	_ =	sdelay $0x1  }
0x8a: {  	s1 =	srdreg.scid  }
0x8b: {  	s0 =	sand.u32 $0x1, s1  }
0x8c: {  	s16 =	sshll.u32 s0, $0xA;
	s2 =	sadd.s32 s3, s2  }
0x8d: {  	s2 =	sadd.s32 s2, s16  }
0x8e: {  	[smem:$0x3FC2] =	sst s2  }
0x8f: {  	_ = 	snop  }
0x90: {  	(tm) =	ssettm $0x1  }
0x91: {  	s17 =	sld [smem:$0x3FFB];
	_ =	sdelay $0x3  }
0x92: {  	_ =	strace s17  }
0x93: {  	s2 =	sld [smem:$0x3FFC];
	_ =	sdelay $0x3  }
0x94: {  	_ =	strace s2  }
0x95: {  	s2 =	sld [smem:$0x3FFD];
	_ =	sdelay $0x3  }
0x96: {  	_ =	strace s2  }
0x97: {  	_ =	strace $0x8FFFFFFF  }
0x98: {  	s18 =	sld [smem:$0x3FDB];
	_ =	sdelay $0x1  }
0x99: {  	s19 =	simm.s32 $_scs_section_size  }
0x9a: {  	s4 =	simm.s32 $_size__tile_overlayer_lowered;
	s5 =	simm.s32 $_tile_overlayer_lowered  }
0x9b: {  	s22 =	simm.s32 $0x1BFF;
	s21 =	sshll.u32 s5, $0x1;
	s2 =	sadd.s32 s19, s18  }
0x9c: {  	s6 =	simm.s32 $0x0;
	s20 =	sshll.u32 s4, $0x1;
	s4 =	sadd.s32 s21, s2  }
0x9d: {  	[timem:s6], [sflag:s22] =	dma.local [hbm:s4], s20  }
0x9e: {  	_ =	swait.ge [sflag:s22], s20  }
0x9f: {  	s3 =	ssub.s32 $0x0, s20;
	[sflag:s22] =	ssyncset.done $0x0  }
0xa0: {  	[sflag:s22] =	ssyncadd.s32 s3;
	_ =	sdelay $0x1  }
0xa1: {  	s23 =	simm.s32 $0x1B8B  }
0xa2: {  	_ =	swait.ge [sflag:s23], $0x1  }
0xa3: {  	[sflag:s23] =	ssyncset.done $0x0  }
0xa4: {  	s25 =	simm.s32 $0x1B8E;
	s24 =	sld [smem:$0x3FFE];
	[sflag:s23] =	ssyncadd.s32 $0xFFFFFFFF  }
0xa5: {  	s26 =	simm.s32 $execute0_lowered;
	[smem:$0x3FD2] =	sst s25  }
0xa6: {  	s4 =	sshll.u32 s26, $0x1;
	_ =	strace $0x80000046;
	[dreg:$0x1] =	wrdreg $0xFFFFFFFF  }
0xa7: {  	s28 =	simm.s32 $_size_execute0_lowered;
	s2 =	sadd.s32 s2, s4;
	[dreg:$0x0] =	wrdreg $0x0  }
0xa8: {  	s4 =	sshll.u32 s28, $0x1;
	[dreg:$0x2] =	wrdreg s2  }
0xa9: {  	[dreg:$0x3] =	wrdreg s4  }
0xaa: {  	[dreg:$0x4] =	wrdreg $0xC0  }
0xab: {  	_ =	task [dreg:s6], $0x5FFFF  }
0xac: {  	[dreg:$0x1] =	wrdreg $0xFFFFFFFF  }
0xad: {  	[dreg:$0x0] =	wrdreg $0x60  }
0xae: {  	[dreg:$0x2] =	wrdreg s24  }
0xaf: {  	[dreg:$0x3] =	wrdreg $0x9  }
0xb0: {  	_ =	task.clear_ibuf [dreg:s6], $0x4FFFF;
	_ =	strace $0x90000046  }
0xb1: {  	s29 =	simm.s32 $0x9;
	_ =	strace $0x80000048  }
0xb2: {  	_ =	swait.ge [sflag:s29], $0x1  }
0xb3: {  	[sflag:s29] =	ssyncadd.s32 $0xFFFFFFFF  }
0xb4: {  	_ =	strace $0x90000048  }
0xb5: {  	_ =	sfence  }
0xb6: {  	s30 =	sld [smem:$0x0];
	_ =	sdelay $0x2  }
0xb7: {  	s31 =	sshll.u32 s1, $0xD;
	s1 =	sshrl.u32 s1, $0x2  }
0xb8: {  	s3 =	sand.u32 $0x4000, s31;
	s1 =	sadd.s32 s1, s30  }
0xb9: {  	s0 =	sor.u32 s3, s0;
	s1 =	sshll.u32 s1, $0x11  }
0xba: {  	s0 =	sor.u32 s1, s0  }
0xbb: {  	s0 =	sadd.s32 $0x8F2B, s0  }
0xbc: {  	[sflag:s0] =	ssyncadd.remote.s32 $0x1  }
0xbd: {  	_ =	sfence.sel $0xFFFF  }
0xbe: {  	[dreg:$0x0] =	wrdreg $0xFFFFFFFF;
	(pc) =	sbr.abs _section_cstart, $3  }
0xbf: {  	[dreg:$0x1] =	wrdreg $0xFFFFFFFF  }
0xc0: {  	_ =	task.clear_ibuf [dreg:s6], $0x2FFFF;
	_ =	strace $0x9FFFFFFF  }
0xc1: {  	(tm) =	ssettm $0x7FFFFFFF  }
tec
execute0_lowered:
.L_overlay_start_1:
0x0: {  	(tag) =	ssettag $0x1  }
0x1: {  	s0 =	srdreg.scid  }
0x2: {  	s8 =	stileid.u32;
	s4 =	rddreg [dreg:$0x0];
	s2 =	simm.s32 $0x0  }
0x3: {  	s18 =	simm.s32 $0x1F00;
	s21 =	simm.s32 $0x3700;
	s31 =	simm.s32 $0x4700  }
0x4: {  	s28 =	simm.s32 $0x4F00;
	s29 =	simm.s32 $0x5F00;
	s30 =	simm.s32 $0x6700  }
0x5: {  	s9 =	simm.s32 $0xA700;
	s11 =	simm.s32 $0xAF00;
	s10 =	simm.s32 $0x1  }
0x6: {  	s12 =	simm.s32 $0x2;
	s13 =	simm.s32 $0x3;
	s14 =	simm.s32 $0x4  }
0x7: {  	s15 =	simm.s32 $0x5;
	s16 =	simm.s32 $0x6;
	s17 =	simm.s32 $0x7  }
0x8: {  	s19 =	simm.s32 $0x8;
	s20 =	simm.s32 $0x0;
	s0 =	sand.u32 $0x1, s0  }
0x9: {  	s1 =	sshll.u32 s8, $0x1;
	[smem:$0x7FF] =	sst s2;
	s22 =	smul.u32 $0x7A800, s8  }
0xa: {  	s1 =	sor.u32 s0, s1;
	s6 =	ssub.s32 $0x2, s0;
	s0 =	smul.u32 $0x3D400, s0  }
0xb: {  	s8 =	simm.s32 $0x9F00;
	_ =	strace $0x80000047;
	s3 =	smul.u32 $0x1EA0, s1  }
0xc: {  	[dreg:$0x9] =	wrdreg s20;
	s1 =	smul.u32 $0x1EA000, s1;
	s7 =	sshrl.u32 s6, $0x1  }
0xd: {  	s6 =	ssub.s32 s6, s7;
	s7 =	simm.s32 $0x9700;
	s5 =	sshrl.u32 s3, $0x3  }
0xe: {  	s3 =	sadd.s32 $0x19000, s4;
	s1 =	sshrl.u32 s1, $0x3;
	s26 =	smax.u32 s6, $0x1  }
0xf: {  	s6 =	simm.s32 $0x8700;
	s5 =	sadd.s32 s5, s4;
	s4 =	sadd.s32 $0x68C00, s4  }
0x10: {  	[dreg:$0x8] =	wrdreg s26;
	s1 =	sadd.s32 s4, s1;
	s5 =	sadd.s32 $0x11400, s5  }
0x11: {  	s26 =	simm.s32 $0x8F00;
	[dreg:$0x3] =	wrdreg s5;
	s23 =	sadd.s32 $0x3B800, s1  }
0x12: {  	s4 =	sadd.s32 s22, s4;
	s24 =	sadd.s32 $0x3BF00, s1;
	[dreg:$0x4] =	wrdreg s23  }
0x13: {  	s22 =	simm.s32 $0x2700;
	s25 =	sadd.s32 $0x3C600, s1;
	[dreg:$0x5] =	wrdreg s24  }
0x14: {  	s1 =	sadd.s32 $0x3CD00, s1;
	s0 =	sadd.s32 s0, s4;
	[dreg:$0x6] =	wrdreg s25  }
0x15: {  	v2 =	vlaneseq.u32;
	s4 =	simm.s32 $0x7700;
	s5 =	simm.s32 $0x7F00;
	[dreg:$0x7] =	wrdreg s1  }
0x16: {  	vm0 =	vmmov $0xffff;
	v1 =	vshrl.u32 v2, $0x3;
	[dreg:$0x2] =	wrdreg s0;
	s23 =	simm.s32 $0x2F00;
	s24 =	simm.s32 $0x3F00  }
0x17: {  	v0 =	vand.u32 $0x7, v2;
	v2 =	vor.u32 $0x8, v2;
	v1 =	vmul.u32 $0x8, v1;
	s25 =	simm.s32 $0x5700;
	s1 =	simm.s32 $0x6F00;
	s0 =	simm.s32 $0xC700  }
.LBB2_1:
0x18: {  	s20 =	rddreg [dreg:$0x3]  }
0x19: {  	[tilespmem:s2], [sflag:$0x9] =	stream.linear.gather [hbm4b:s20+s2], $0x1EA0, $0x38;
	[tilespmem:$0xFF00] =	vst v63  }
0x1a: {  	s20 =	simm.s32 $0x9  }
0x1b: {  	_ =	swait.ge [sflag:s20], $0x1EA0  }
0x1c: {  	[sflag:s20] =	ssyncset.done $0x0  }
0x1d: {  	[sflag:s20] =	ssyncadd.s32 $0xFFFFE160  }
0x1e: {  	v3 =	vld [tilespmem:$0x0];
	_ =	sdelay $0x4  }
0x1f: {  	v4 =	vshll.u32 v3, $0x1  }
0x20: {  	v3 =	vand.u32 $0x7, v3;
	v4 =	vand.u32 $0xFFFFFFF0, v4  }
0x21: {  	v3 =	vor.u32 v3, v4  }
0x22: {  	v4 =	vperm.xlane v3, v0;
	_ =	sdelay $0x1  }
0x23: {  	v3 =	vperm.xlane v3, v2;
	v4 =	vadd.s32 v1, v4;
	_ =	sdelay $0x1  }
0x24: {  	v3 =	vadd.s32 v1, v3;
	_ =	sdelay $0x2  }
0x25: {  	[tilespmem:s18], [sflag:$0x1] =	stream.indirect_vreg.gather [hbm4b:s3+s2], $0x80, v4, vm0, $0xb8;
	[tilespmem:$0xFF00] =	vst v63  }
0x26: {  	_ = 	snop  }
0x27: {  	[tilespmem:s22], [sflag:$0x1] =	stream.indirect_vreg.gather [hbm4b:s3+s2], $0x80, v3, vm0, $0xb8;
	[tilespmem:$0xFF00] =	vst v63  }
0x28: {  	v3 =	vld [tilespmem:$0x10];
	_ =	sdelay $0x4  }
0x29: {  	v49 =	vshll.u32 v3, $0x1  }
0x2a: {  	v3 =	vand.u32 $0x7, v3;
	v4 =	vand.u32 $0xFFFFFFF0, v49  }
0x2b: {  	v3 =	vor.u32 v3, v4  }
0x2c: {  	v4 =	vperm.xlane v3, v0;
	_ =	sdelay $0x1  }
0x2d: {  	v3 =	vperm.xlane v3, v2;
	v4 =	vadd.s32 v1, v4;
	_ =	sdelay $0x1  }
0x2e: {  	v3 =	vadd.s32 v1, v3;
	_ =	sdelay $0x2  }
0x2f: {  	[tilespmem:s23], [sflag:$0x1] =	stream.indirect_vreg.gather [hbm4b:s3+s2], $0x80, v4, vm0, $0xb8;
	[tilespmem:$0xFF00] =	vst v63  }
0x30: {  	_ = 	snop  }
0x31: {  	[tilespmem:s21], [sflag:$0x1] =	stream.indirect_vreg.gather [hbm4b:s3+s2], $0x80, v3, vm0, $0xb8;
	[tilespmem:$0xFF00] =	vst v63  }
0x32: {  	v3 =	vld [tilespmem:$0x20];
	_ =	sdelay $0x4  }
0x33: {  	v50 =	vshll.u32 v3, $0x1  }
0x34: {  	v3 =	vand.u32 $0x7, v3;
	v4 =	vand.u32 $0xFFFFFFF0, v50  }
0x35: {  	v3 =	vor.u32 v3, v4  }
0x36: {  	v4 =	vperm.xlane v3, v0;
	_ =	sdelay $0x1  }
0x37: {  	v3 =	vperm.xlane v3, v2;
	v4 =	vadd.s32 v1, v4;
	_ =	sdelay $0x1  }
0x38: {  	v3 =	vadd.s32 v1, v3;
	_ =	sdelay $0x2  }
0x39: {  	[tilespmem:s24], [sflag:$0x1] =	stream.indirect_vreg.gather [hbm4b:s3+s2], $0x80, v4, vm0, $0xb8;
	[tilespmem:$0xFF00] =	vst v63  }
0x3a: {  	_ = 	snop  }
0x3b: {  	[tilespmem:s31], [sflag:$0x1] =	stream.indirect_vreg.gather [hbm4b:s3+s2], $0x80, v3, vm0, $0xb8;
	[tilespmem:$0xFF00] =	vst v63  }
0x3c: {  	v3 =	vld.msk [tilespmem:$0x30], $0xff;
	_ =	sdelay $0x4  }
0x3d: {  	v51 =	vshll.u32 v3, $0x1  }
0x3e: {  	v3 =	vand.u32 $0x7, v3;
	v4 =	vand.u32 $0xFFFFFFF0, v51  }
0x3f: {  	v3 =	vor.u32 v3, v4  }
0x40: {  	v3 =	vperm.xlane v3, v0;
	_ =	sdelay $0x1  }
0x41: {  	v3 =	vadd.s32 v1, v3;
	_ =	sdelay $0x4  }
0x42: {  	[tilespmem:s28], [sflag:$0x1] =	stream.indirect_vreg.gather [hbm4b:s3+s2], $0x80, v3, vm0, $0xb8;
	[tilespmem:$0xFF00] =	vst v63  }
0x43: {  	v3 =	vld [tilespmem:$0x38];
	_ =	sdelay $0x4  }
0x44: {  	v52 =	vshll.u32 v3, $0x1  }
0x45: {  	v3 =	vand.u32 $0x7, v3;
	v4 =	vand.u32 $0xFFFFFFF0, v52  }
0x46: {  	v3 =	vor.u32 v3, v4  }
0x47: {  	v4 =	vperm.xlane v3, v0;
	_ =	sdelay $0x1  }
0x48: {  	v3 =	vperm.xlane v3, v2;
	v4 =	vadd.s32 v1, v4;
	_ =	sdelay $0x1  }
0x49: {  	v3 =	vadd.s32 v1, v3;
	_ =	sdelay $0x2  }
0x4a: {  	[tilespmem:s25], [sflag:$0x2] =	stream.indirect_vreg.gather [hbm4b:s3+s2], $0x80, v4, vm0, $0xb8;
	[tilespmem:$0xFF00] =	vst v63  }
0x4b: {  	_ = 	snop  }
0x4c: {  	[tilespmem:s29], [sflag:$0x2] =	stream.indirect_vreg.gather [hbm4b:s3+s2], $0x80, v3, vm0, $0xb8;
	[tilespmem:$0xFF00] =	vst v63  }
0x4d: {  	v3 =	vld [tilespmem:$0x48];
	_ =	sdelay $0x4  }
0x4e: {  	v53 =	vshll.u32 v3, $0x1  }
0x4f: {  	v3 =	vand.u32 $0x7, v3;
	v4 =	vand.u32 $0xFFFFFFF0, v53  }
0x50: {  	v3 =	vor.u32 v3, v4  }
0x51: {  	v4 =	vperm.xlane v3, v0;
	_ =	sdelay $0x1  }
0x52: {  	v3 =	vperm.xlane v3, v2;
	v4 =	vadd.s32 v1, v4;
	_ =	sdelay $0x1  }
0x53: {  	v3 =	vadd.s32 v1, v3;
	_ =	sdelay $0x2  }
0x54: {  	[tilespmem:s30], [sflag:$0x2] =	stream.indirect_vreg.gather [hbm4b:s3+s2], $0x80, v4, vm0, $0xb8;
	[tilespmem:$0xFF00] =	vst v63  }
0x55: {  	_ = 	snop  }
0x56: {  	[tilespmem:s1], [sflag:$0x2] =	stream.indirect_vreg.gather [hbm4b:s3+s2], $0x80, v3, vm0, $0xb8;
	[tilespmem:$0xFF00] =	vst v63  }
0x57: {  	v3 =	vld [tilespmem:$0x58];
	_ =	sdelay $0x4  }
0x58: {  	v54 =	vshll.u32 v3, $0x1  }
0x59: {  	v3 =	vand.u32 $0x7, v3;
	v4 =	vand.u32 $0xFFFFFFF0, v54  }
0x5a: {  	v3 =	vor.u32 v3, v4  }
0x5b: {  	v4 =	vperm.xlane v3, v0;
	_ =	sdelay $0x1  }
0x5c: {  	v3 =	vperm.xlane v3, v2;
	v4 =	vadd.s32 v1, v4;
	_ =	sdelay $0x1  }
0x5d: {  	v3 =	vadd.s32 v1, v3;
	_ =	sdelay $0x2  }
0x5e: {  	[tilespmem:s4], [sflag:$0x2] =	stream.indirect_vreg.gather [hbm4b:s3+s2], $0x80, v4, vm0, $0xb8;
	[tilespmem:$0xFF00] =	vst v63  }
0x5f: {  	_ = 	snop  }
0x60: {  	[tilespmem:s5], [sflag:$0x2] =	stream.indirect_vreg.gather [hbm4b:s3+s2], $0x80, v3, vm0, $0xb8;
	[tilespmem:$0xFF00] =	vst v63  }
0x61: {  	v3 =	vld.msk [tilespmem:$0x68], $0xff;
	_ =	sdelay $0x4  }
0x62: {  	v55 =	vshll.u32 v3, $0x1  }
0x63: {  	v3 =	vand.u32 $0x7, v3;
	v4 =	vand.u32 $0xFFFFFFF0, v55  }
0x64: {  	v3 =	vor.u32 v3, v4  }
0x65: {  	v3 =	vperm.xlane v3, v0;
	_ =	sdelay $0x1  }
0x66: {  	v3 =	vadd.s32 v1, v3;
	_ =	sdelay $0x4  }
0x67: {  	[tilespmem:s6], [sflag:$0x2] =	stream.indirect_vreg.gather [hbm4b:s3+s2], $0x80, v3, vm0, $0xb8;
	[tilespmem:$0xFF00] =	vst v63  }
0x68: {  	v3 =	vld [tilespmem:$0x70];
	_ =	sdelay $0x4  }
0x69: {  	v56 =	vshll.u32 v3, $0x1  }
0x6a: {  	v3 =	vand.u32 $0x7, v3;
	v4 =	vand.u32 $0xFFFFFFF0, v56  }
0x6b: {  	v3 =	vor.u32 v3, v4  }
0x6c: {  	v4 =	vperm.xlane v3, v0;
	_ =	sdelay $0x1  }
0x6d: {  	v3 =	vperm.xlane v3, v2;
	v4 =	vadd.s32 v1, v4;
	_ =	sdelay $0x1  }
0x6e: {  	v3 =	vadd.s32 v1, v3;
	_ =	sdelay $0x2  }
0x6f: {  	[tilespmem:s26], [sflag:$0x3] =	stream.indirect_vreg.gather [hbm4b:s3+s2], $0x80, v4, vm0, $0xb8;
	[tilespmem:$0xFF00] =	vst v63  }
0x70: {  	_ = 	snop  }
0x71: {  	[tilespmem:s7], [sflag:$0x3] =	stream.indirect_vreg.gather [hbm4b:s3+s2], $0x80, v3, vm0, $0xb8;
	[tilespmem:$0xFF00] =	vst v63  }
0x72: {  	v3 =	vld [tilespmem:$0x80];
	_ =	sdelay $0x4  }
0x73: {  	v57 =	vshll.u32 v3, $0x1  }
0x74: {  	v3 =	vand.u32 $0x7, v3;
	v4 =	vand.u32 $0xFFFFFFF0, v57  }
0x75: {  	v3 =	vor.u32 v3, v4  }
0x76: {  	v4 =	vperm.xlane v3, v0;
	_ =	sdelay $0x1  }
0x77: {  	v3 =	vperm.xlane v3, v2;
	v4 =	vadd.s32 v1, v4;
	_ =	sdelay $0x1  }
0x78: {  	v3 =	vadd.s32 v1, v3;
	_ =	sdelay $0x2  }
0x79: {  	[tilespmem:s8], [sflag:$0x3] =	stream.indirect_vreg.gather [hbm4b:s3+s2], $0x80, v4, vm0, $0xb8;
	[tilespmem:$0xFF00] =	vst v63  }
0x7a: {  	_ = 	snop  }
0x7b: {  	[tilespmem:s9], [sflag:$0x3] =	stream.indirect_vreg.gather [hbm4b:s3+s2], $0x80, v3, vm0, $0xb8;
	[tilespmem:$0xFF00] =	vst v63  }
0x7c: {  	v3 =	vld [tilespmem:$0x90];
	_ =	sdelay $0x4  }
0x7d: {  	v58 =	vshll.u32 v3, $0x1  }
0x7e: {  	v3 =	vand.u32 $0x7, v3;
	v4 =	vand.u32 $0xFFFFFFF0, v58  }
0x7f: {  	v3 =	vor.u32 v3, v4  }
0x80: {  	v4 =	vperm.xlane v3, v0;
	_ =	sdelay $0x1  }
0x81: {  	v3 =	vperm.xlane v3, v2;
	v4 =	vadd.s32 v1, v4;
	_ =	sdelay $0x1  }
0x82: {  	v3 =	vadd.s32 v1, v3;
	_ =	sdelay $0x2  }
0x83: {  	[tilespmem:s11], [sflag:$0x3] =	stream.indirect_vreg.gather [hbm4b:s3+s2], $0x80, v4, vm0, $0xb8;
	[tilespmem:$0xFF00] =	vst v63  }
0x84: {  	s21 =	simm.s32 $0xB700  }
0x85: {  	[tilespmem:s21], [sflag:$0x3] =	stream.indirect_vreg.gather [hbm4b:s3+s2], $0x80, v3, vm0, $0xb8;
	[tilespmem:$0xFF00] =	vst v63  }
0x86: {  	v3 =	vld.msk [tilespmem:$0xA0], $0xff;
	_ =	sdelay $0x4  }
0x87: {  	v59 =	vshll.u32 v3, $0x1  }
0x88: {  	v3 =	vand.u32 $0x7, v3;
	v4 =	vand.u32 $0xFFFFFFF0, v59  }
0x89: {  	v3 =	vor.u32 v3, v4  }
0x8a: {  	v3 =	vperm.xlane v3, v0;
	_ =	sdelay $0x1  }
0x8b: {  	v3 =	vadd.s32 v1, v3;
	_ =	sdelay $0x3  }
0x8c: {  	s22 =	simm.s32 $0xBF00  }
0x8d: {  	[tilespmem:s22], [sflag:$0x3] =	stream.indirect_vreg.gather [hbm4b:s3+s2], $0x80, v3, vm0, $0xb8;
	[tilespmem:$0xFF00] =	vst v63  }
0x8e: {  	v3 =	vld [tilespmem:$0xA8];
	_ =	sdelay $0x4  }
0x8f: {  	v60 =	vshll.u32 v3, $0x1  }
0x90: {  	v3 =	vand.u32 $0x7, v3;
	v4 =	vand.u32 $0xFFFFFFF0, v60  }
0x91: {  	v3 =	vor.u32 v3, v4  }
0x92: {  	v4 =	vperm.xlane v3, v0;
	_ =	sdelay $0x1  }
0x93: {  	v3 =	vperm.xlane v3, v2;
	v4 =	vadd.s32 v1, v4;
	_ =	sdelay $0x1  }
0x94: {  	v3 =	vadd.s32 v1, v3;
	_ =	sdelay $0x2  }
0x95: {  	[tilespmem:s0], [sflag:$0x4] =	stream.indirect_vreg.gather [hbm4b:s3+s2], $0x80, v4, vm0, $0xb8;
	[tilespmem:$0xFF00] =	vst v63  }
0x96: {  	s23 =	simm.s32 $0xCF00  }
0x97: {  	[tilespmem:s23], [sflag:$0x4] =	stream.indirect_vreg.gather [hbm4b:s3+s2], $0x80, v3, vm0, $0xb8;
	[tilespmem:$0xFF00] =	vst v63  }
0x98: {  	v3 =	vld [tilespmem:$0xB8];
	_ =	sdelay $0x4  }
0x99: {  	v61 =	vshll.u32 v3, $0x1  }
0x9a: {  	v3 =	vand.u32 $0x7, v3;
	v4 =	vand.u32 $0xFFFFFFF0, v61  }
0x9b: {  	v3 =	vor.u32 v3, v4  }
0x9c: {  	v4 =	vperm.xlane v3, v0;
	_ =	sdelay $0x1  }
0x9d: {  	v3 =	vperm.xlane v3, v2;
	v4 =	vadd.s32 v1, v4;
	_ =	sdelay $0x1  }
0x9e: {  	v3 =	vadd.s32 v1, v3;
	_ =	sdelay $0x1  }
0x9f: {  	s24 =	simm.s32 $0xD700  }
0xa0: {  	[tilespmem:s24], [sflag:$0x4] =	stream.indirect_vreg.gather [hbm4b:s3+s2], $0x80, v4, vm0, $0xb8;
	[tilespmem:$0xFF00] =	vst v63  }
0xa1: {  	s25 =	simm.s32 $0xDF00  }
0xa2: {  	[tilespmem:s25], [sflag:$0x4] =	stream.indirect_vreg.gather [hbm4b:s3+s2], $0x80, v3, vm0, $0xb8;
	[tilespmem:$0xFF00] =	vst v63  }
0xa3: {  	v3 =	vld [tilespmem:$0xC8];
	_ =	sdelay $0x4  }
0xa4: {  	v62 =	vshll.u32 v3, $0x1  }
0xa5: {  	v3 =	vand.u32 $0x7, v3;
	v4 =	vand.u32 $0xFFFFFFF0, v62  }
0xa6: {  	v3 =	vor.u32 v3, v4  }
0xa7: {  	v4 =	vperm.xlane v3, v0;
	_ =	sdelay $0x1  }
0xa8: {  	v3 =	vperm.xlane v3, v2;
	v4 =	vadd.s32 v1, v4;
	_ =	sdelay $0x1  }
0xa9: {  	v3 =	vadd.s32 v1, v3;
	_ =	sdelay $0x1  }
0xaa: {  	s26 =	simm.s32 $0xE700  }
0xab: {  	[tilespmem:s26], [sflag:$0x4] =	stream.indirect_vreg.gather [hbm4b:s3+s2], $0x80, v4, vm0, $0xb8;
	[tilespmem:$0xFF00] =	vst v63  }
0xac: {  	s29 =	simm.s32 $0xEF00  }
0xad: {  	[tilespmem:s29], [sflag:$0x4] =	stream.indirect_vreg.gather [hbm4b:s3+s2], $0x80, v3, vm0, $0xb8;
	[tilespmem:$0xFF00] =	vst v63  }
0xae: {  	v3 =	vld.msk [tilespmem:$0xD8], $0xff;
	_ =	sdelay $0x4  }
0xaf: {  	v63 =	vshll.u32 v3, $0x1  }
0xb0: {  	v3 =	vand.u32 $0x7, v3;
	v4 =	vand.u32 $0xFFFFFFF0, v63  }
0xb1: {  	v3 =	vor.u32 v3, v4  }
0xb2: {  	v3 =	vperm.xlane v3, v0;
	_ =	sdelay $0x1  }
0xb3: {  	s20 =	simm.s32 $0x1B8;
	s31 =	simm.s32 $0xF700;
	v3 =	vadd.s32 v1, v3  }
0xb4: {  	s28 =	simm.s32 $0x4700;
	s30 =	simm.s32 $0x5F00;
	s1 =	simm.s32 $0x6F00  }
0xb5: {  	s4 =	simm.s32 $0x7700;
	s5 =	simm.s32 $0x7F00;
	s6 =	simm.s32 $0x8700  }
0xb6: {  	s7 =	simm.s32 $0x9700;
	s8 =	simm.s32 $0x9F00;
	s9 =	simm.s32 $0xA700  }
0xb7: {  	s11 =	simm.s32 $0xAF00;
	s21 =	simm.s32 $0x0;
	s24 =	simm.s32 $0x3700  }
0xb8: {  	[tilespmem:s31], [sflag:$0x4] =	stream.indirect_vreg.gather [hbm4b:s3+s2], $0x80, v3, vm0, $0xb8;
	[tilespmem:$0xFF00] =	vst v63  }
.LBB2_2:
0xb9: {  	_ =	swait.ge [sflag:s10], $0x3800  }
0xba: {  	s22 =	rddreg [dreg:$0x2];
	[sflag:s10] =	ssyncset.done $0x0  }
0xbb: {  	s25 =	simm.s32 $0x1F00;
	[sflag:s10] =	ssyncadd.s32 $0xFFFFC800;
	s22 =	sadd.s32 s21, s22  }
0xbc: {  	[hbm4b:s22+s2] =	stream.linear.scatter [tilespmem:s25], [sflag:$0x5], $0x3800, $0x38;
	[tilespmem:$0xFF00] =	vst v63  }
0xbd: {  	_ =	swait.ge [sflag:s12], $0x3800  }
0xbe: {  	[sflag:s12] =	ssyncset.done $0x0  }
0xbf: {  	s26 =	simm.s32 $0x5700;
	s23 =	sadd.s32 $0x700, s22;
	[sflag:s12] =	ssyncadd.s32 $0xFFFFC800  }
0xc0: {  	[hbm4b:s23+s2] =	stream.linear.scatter [tilespmem:s26], [sflag:$0x6], $0x3800, $0x38;
	[tilespmem:$0xFF00] =	vst v63  }
0xc1: {  	_ =	swait.ge [sflag:s13], $0x3800  }
0xc2: {  	[sflag:s13] =	ssyncset.done $0x0  }
0xc3: {  	s29 =	simm.s32 $0x8F00;
	s18 =	sadd.s32 $0xE00, s22;
	[sflag:s13] =	ssyncadd.s32 $0xFFFFC800  }
0xc4: {  	[hbm4b:s18+s2] =	stream.linear.scatter [tilespmem:s29], [sflag:$0x7], $0x3800, $0x38;
	[tilespmem:$0xFF00] =	vst v63  }
0xc5: {  	_ =	swait.ge [sflag:s14], $0x3800  }
0xc6: {  	[sflag:s14] =	ssyncset.done $0x0  }
0xc7: {  	s22 =	sadd.s32 $0x1500, s22;
	[sflag:s14] =	ssyncadd.s32 $0xFFFFC800  }
0xc8: {  	[hbm4b:s22+s2] =	stream.linear.scatter [tilespmem:s0], [sflag:$0x8], $0x3800, $0x38;
	[tilespmem:$0xFF00] =	vst v63  }
0xc9: {  	_ =	swait.ge [sflag:s15], $0x3800  }
0xca: {  	[sflag:s15] =	ssyncset.done $0x0  }
0xcb: {  	[sflag:s15] =	ssyncadd.s32 $0xFFFFC800  }
0xcc: {  	v3 =	vld [tilespmem:s20+$0xFFFFFF28];
	_ =	sdelay $0x4  }
0xcd: {  	v4 =	vshll.u32 v3, $0x1  }
0xce: {  	v3 =	vand.u32 $0x7, v3;
	v4 =	vand.u32 $0xFFFFFFF0, v4  }
0xcf: {  	v3 =	vor.u32 v3, v4  }
0xd0: {  	v4 =	vperm.xlane v3, v0;
	_ =	sdelay $0x1  }
0xd1: {  	v3 =	vperm.xlane v3, v2;
	v4 =	vadd.s32 v1, v4;
	_ =	sdelay $0x1  }
0xd2: {  	v3 =	vadd.s32 v1, v3;
	_ =	sdelay $0x2  }
0xd3: {  	[tilespmem:s25], [sflag:$0x1] =	stream.indirect_vreg.gather [hbm4b:s3+s2], $0x80, v4, vm0, $0xb8;
	[tilespmem:$0xFF00] =	vst v63  }
0xd4: {  	s22 =	simm.s32 $0x2700  }
0xd5: {  	[tilespmem:s22], [sflag:$0x1] =	stream.indirect_vreg.gather [hbm4b:s3+s2], $0x80, v3, vm0, $0xb8;
	[tilespmem:$0xFF00] =	vst v63  }
0xd6: {  	v3 =	vld [tilespmem:s20+$0xFFFFFF38];
	_ =	sdelay $0x4  }
0xd7: {  	v49 =	vshll.u32 v3, $0x1  }
0xd8: {  	v3 =	vand.u32 $0x7, v3;
	v4 =	vand.u32 $0xFFFFFFF0, v49  }
0xd9: {  	v3 =	vor.u32 v3, v4  }
0xda: {  	v4 =	vperm.xlane v3, v0;
	_ =	sdelay $0x1  }
0xdb: {  	v3 =	vperm.xlane v3, v2;
	v4 =	vadd.s32 v1, v4;
	_ =	sdelay $0x1  }
0xdc: {  	v3 =	vadd.s32 v1, v3;
	_ =	sdelay $0x1  }
0xdd: {  	s23 =	simm.s32 $0x2F00  }
0xde: {  	[tilespmem:s23], [sflag:$0x1] =	stream.indirect_vreg.gather [hbm4b:s3+s2], $0x80, v4, vm0, $0xb8;
	[tilespmem:$0xFF00] =	vst v63  }
0xdf: {  	_ = 	snop  }
0xe0: {  	[tilespmem:s24], [sflag:$0x1] =	stream.indirect_vreg.gather [hbm4b:s3+s2], $0x80, v3, vm0, $0xb8;
	[tilespmem:$0xFF00] =	vst v63  }
0xe1: {  	v3 =	vld [tilespmem:s20+$0xFFFFFF48];
	_ =	sdelay $0x4  }
0xe2: {  	v50 =	vshll.u32 v3, $0x1  }
0xe3: {  	v3 =	vand.u32 $0x7, v3;
	v4 =	vand.u32 $0xFFFFFFF0, v50  }
0xe4: {  	v3 =	vor.u32 v3, v4  }
0xe5: {  	v4 =	vperm.xlane v3, v0;
	_ =	sdelay $0x1  }
0xe6: {  	v3 =	vperm.xlane v3, v2;
	v4 =	vadd.s32 v1, v4;
	_ =	sdelay $0x1  }
0xe7: {  	v3 =	vadd.s32 v1, v3;
	_ =	sdelay $0x1  }
0xe8: {  	s25 =	simm.s32 $0x3F00  }
0xe9: {  	[tilespmem:s25], [sflag:$0x1] =	stream.indirect_vreg.gather [hbm4b:s3+s2], $0x80, v4, vm0, $0xb8;
	[tilespmem:$0xFF00] =	vst v63  }
0xea: {  	_ = 	snop  }
0xeb: {  	[tilespmem:s28], [sflag:$0x1] =	stream.indirect_vreg.gather [hbm4b:s3+s2], $0x80, v3, vm0, $0xb8;
	[tilespmem:$0xFF00] =	vst v63  }
0xec: {  	v3 =	vld.msk [tilespmem:s20+$0xFFFFFF58], $0xff;
	_ =	sdelay $0x4  }
0xed: {  	v51 =	vshll.u32 v3, $0x1  }
0xee: {  	v3 =	vand.u32 $0x7, v3;
	v4 =	vand.u32 $0xFFFFFFF0, v51  }
0xef: {  	v3 =	vor.u32 v3, v4  }
0xf0: {  	v3 =	vperm.xlane v3, v0;
	_ =	sdelay $0x1  }
0xf1: {  	v3 =	vadd.s32 v1, v3;
	_ =	sdelay $0x3  }
0xf2: {  	s25 =	simm.s32 $0x4F00  }
0xf3: {  	[tilespmem:s25], [sflag:$0x1] =	stream.indirect_vreg.gather [hbm4b:s3+s2], $0x80, v3, vm0, $0xb8;
	[tilespmem:$0xFF00] =	vst v63  }
0xf4: {  	_ =	swait.ge [sflag:s16], $0x3800  }
0xf5: {  	[sflag:s16] =	ssyncset.done $0x0  }
0xf6: {  	[sflag:s16] =	ssyncadd.s32 $0xFFFFC800  }
0xf7: {  	v3 =	vld [tilespmem:s20+$0xFFFFFF60];
	_ =	sdelay $0x4  }
0xf8: {  	v52 =	vshll.u32 v3, $0x1  }
0xf9: {  	v3 =	vand.u32 $0x7, v3;
	v4 =	vand.u32 $0xFFFFFFF0, v52  }
0xfa: {  	v3 =	vor.u32 v3, v4  }
0xfb: {  	v4 =	vperm.xlane v3, v0;
	_ =	sdelay $0x1  }
0xfc: {  	v3 =	vperm.xlane v3, v2;
	v4 =	vadd.s32 v1, v4;
	_ =	sdelay $0x1  }
0xfd: {  	v3 =	vadd.s32 v1, v3;
	_ =	sdelay $0x2  }
0xfe: {  	[tilespmem:s26], [sflag:$0x2] =	stream.indirect_vreg.gather [hbm4b:s3+s2], $0x80, v4, vm0, $0xb8;
	[tilespmem:$0xFF00] =	vst v63  }
0xff: {  	_ = 	snop  }
0x100: {  	[tilespmem:s30], [sflag:$0x2] =	stream.indirect_vreg.gather [hbm4b:s3+s2], $0x80, v3, vm0, $0xb8;
	[tilespmem:$0xFF00] =	vst v63  }
0x101: {  	v3 =	vld [tilespmem:s20+$0xFFFFFF70];
	_ =	sdelay $0x4  }
0x102: {  	v53 =	vshll.u32 v3, $0x1  }
0x103: {  	v3 =	vand.u32 $0x7, v3;
	v4 =	vand.u32 $0xFFFFFFF0, v53  }
0x104: {  	v3 =	vor.u32 v3, v4  }
0x105: {  	v4 =	vperm.xlane v3, v0;
	_ =	sdelay $0x1  }
0x106: {  	v3 =	vperm.xlane v3, v2;
	v4 =	vadd.s32 v1, v4;
	_ =	sdelay $0x1  }
0x107: {  	v3 =	vadd.s32 v1, v3;
	_ =	sdelay $0x1  }
0x108: {  	s26 =	simm.s32 $0x6700  }
0x109: {  	[tilespmem:s26], [sflag:$0x2] =	stream.indirect_vreg.gather [hbm4b:s3+s2], $0x80, v4, vm0, $0xb8;
	[tilespmem:$0xFF00] =	vst v63  }
0x10a: {  	_ = 	snop  }
0x10b: {  	[tilespmem:s1], [sflag:$0x2] =	stream.indirect_vreg.gather [hbm4b:s3+s2], $0x80, v3, vm0, $0xb8;
	[tilespmem:$0xFF00] =	vst v63  }
0x10c: {  	v3 =	vld [tilespmem:s20+$0xFFFFFF80];
	_ =	sdelay $0x4  }
0x10d: {  	v54 =	vshll.u32 v3, $0x1  }
0x10e: {  	v3 =	vand.u32 $0x7, v3;
	v4 =	vand.u32 $0xFFFFFFF0, v54  }
0x10f: {  	v3 =	vor.u32 v3, v4  }
0x110: {  	v4 =	vperm.xlane v3, v0;
	_ =	sdelay $0x1  }
0x111: {  	v3 =	vperm.xlane v3, v2;
	v4 =	vadd.s32 v1, v4;
	_ =	sdelay $0x1  }
0x112: {  	v3 =	vadd.s32 v1, v3;
	_ =	sdelay $0x2  }
0x113: {  	[tilespmem:s4], [sflag:$0x2] =	stream.indirect_vreg.gather [hbm4b:s3+s2], $0x80, v4, vm0, $0xb8;
	[tilespmem:$0xFF00] =	vst v63  }
0x114: {  	_ = 	snop  }
0x115: {  	[tilespmem:s5], [sflag:$0x2] =	stream.indirect_vreg.gather [hbm4b:s3+s2], $0x80, v3, vm0, $0xb8;
	[tilespmem:$0xFF00] =	vst v63  }
0x116: {  	v3 =	vld.msk [tilespmem:s20+$0xFFFFFF90], $0xff;
	_ =	sdelay $0x4  }
0x117: {  	v55 =	vshll.u32 v3, $0x1  }
0x118: {  	v3 =	vand.u32 $0x7, v3;
	v4 =	vand.u32 $0xFFFFFFF0, v55  }
0x119: {  	v3 =	vor.u32 v3, v4  }
0x11a: {  	v3 =	vperm.xlane v3, v0;
	_ =	sdelay $0x1  }
0x11b: {  	v3 =	vadd.s32 v1, v3;
	_ =	sdelay $0x4  }
0x11c: {  	[tilespmem:s6], [sflag:$0x2] =	stream.indirect_vreg.gather [hbm4b:s3+s2], $0x80, v3, vm0, $0xb8;
	[tilespmem:$0xFF00] =	vst v63  }
0x11d: {  	_ =	swait.ge [sflag:s17], $0x3800  }
0x11e: {  	[sflag:s17] =	ssyncset.done $0x0  }
0x11f: {  	[sflag:s17] =	ssyncadd.s32 $0xFFFFC800  }
0x120: {  	v3 =	vld [tilespmem:s20+$0xFFFFFF98];
	_ =	sdelay $0x4  }
0x121: {  	v56 =	vshll.u32 v3, $0x1  }
0x122: {  	v3 =	vand.u32 $0x7, v3;
	v4 =	vand.u32 $0xFFFFFFF0, v56  }
0x123: {  	v3 =	vor.u32 v3, v4  }
0x124: {  	v4 =	vperm.xlane v3, v0;
	_ =	sdelay $0x1  }
0x125: {  	v3 =	vperm.xlane v3, v2;
	v4 =	vadd.s32 v1, v4;
	_ =	sdelay $0x1  }
0x126: {  	v3 =	vadd.s32 v1, v3;
	_ =	sdelay $0x2  }
0x127: {  	[tilespmem:s29], [sflag:$0x3] =	stream.indirect_vreg.gather [hbm4b:s3+s2], $0x80, v4, vm0, $0xb8;
	[tilespmem:$0xFF00] =	vst v63  }
0x128: {  	_ = 	snop  }
0x129: {  	[tilespmem:s7], [sflag:$0x3] =	stream.indirect_vreg.gather [hbm4b:s3+s2], $0x80, v3, vm0, $0xb8;
	[tilespmem:$0xFF00] =	vst v63  }
0x12a: {  	v3 =	vld [tilespmem:s20+$0xFFFFFFA8];
	_ =	sdelay $0x4  }
0x12b: {  	v57 =	vshll.u32 v3, $0x1  }
0x12c: {  	v3 =	vand.u32 $0x7, v3;
	v4 =	vand.u32 $0xFFFFFFF0, v57  }
0x12d: {  	v3 =	vor.u32 v3, v4  }
0x12e: {  	v4 =	vperm.xlane v3, v0;
	_ =	sdelay $0x1  }
0x12f: {  	v3 =	vperm.xlane v3, v2;
	v4 =	vadd.s32 v1, v4;
	_ =	sdelay $0x1  }
0x130: {  	v3 =	vadd.s32 v1, v3;
	_ =	sdelay $0x2  }
0x131: {  	[tilespmem:s8], [sflag:$0x3] =	stream.indirect_vreg.gather [hbm4b:s3+s2], $0x80, v4, vm0, $0xb8;
	[tilespmem:$0xFF00] =	vst v63  }
0x132: {  	_ = 	snop  }
0x133: {  	[tilespmem:s9], [sflag:$0x3] =	stream.indirect_vreg.gather [hbm4b:s3+s2], $0x80, v3, vm0, $0xb8;
	[tilespmem:$0xFF00] =	vst v63  }
0x134: {  	v3 =	vld [tilespmem:s20+$0xFFFFFFB8];
	_ =	sdelay $0x4  }
0x135: {  	v58 =	vshll.u32 v3, $0x1  }
0x136: {  	v3 =	vand.u32 $0x7, v3;
	v4 =	vand.u32 $0xFFFFFFF0, v58  }
0x137: {  	v3 =	vor.u32 v3, v4  }
0x138: {  	v4 =	vperm.xlane v3, v0;
	_ =	sdelay $0x1  }
0x139: {  	v3 =	vperm.xlane v3, v2;
	v4 =	vadd.s32 v1, v4;
	_ =	sdelay $0x1  }
0x13a: {  	v3 =	vadd.s32 v1, v3;
	_ =	sdelay $0x2  }
0x13b: {  	[tilespmem:s11], [sflag:$0x3] =	stream.indirect_vreg.gather [hbm4b:s3+s2], $0x80, v4, vm0, $0xb8;
	[tilespmem:$0xFF00] =	vst v63  }
0x13c: {  	s29 =	simm.s32 $0xB700  }
0x13d: {  	[tilespmem:s29], [sflag:$0x3] =	stream.indirect_vreg.gather [hbm4b:s3+s2], $0x80, v3, vm0, $0xb8;
	[tilespmem:$0xFF00] =	vst v63  }
0x13e: {  	v3 =	vld.msk [tilespmem:s20+$0xFFFFFFC8], $0xff;
	_ =	sdelay $0x4  }
0x13f: {  	v59 =	vshll.u32 v3, $0x1  }
0x140: {  	v3 =	vand.u32 $0x7, v3;
	v4 =	vand.u32 $0xFFFFFFF0, v59  }
0x141: {  	v3 =	vor.u32 v3, v4  }
0x142: {  	v3 =	vperm.xlane v3, v0;
	_ =	sdelay $0x1  }
0x143: {  	v3 =	vadd.s32 v1, v3;
	_ =	sdelay $0x3  }
0x144: {  	s29 =	simm.s32 $0xBF00  }
0x145: {  	[tilespmem:s29], [sflag:$0x3] =	stream.indirect_vreg.gather [hbm4b:s3+s2], $0x80, v3, vm0, $0xb8;
	[tilespmem:$0xFF00] =	vst v63  }
0x146: {  	_ =	swait.ge [sflag:s19], $0x3800  }
0x147: {  	[sflag:s19] =	ssyncset.done $0x0  }
0x148: {  	[sflag:s19] =	ssyncadd.s32 $0xFFFFC800  }
0x149: {  	v3 =	vld [tilespmem:s20+$0xFFFFFFD0];
	_ =	sdelay $0x4  }
0x14a: {  	v60 =	vshll.u32 v3, $0x1  }
0x14b: {  	v3 =	vand.u32 $0x7, v3;
	v4 =	vand.u32 $0xFFFFFFF0, v60  }
0x14c: {  	v3 =	vor.u32 v3, v4  }
0x14d: {  	v4 =	vperm.xlane v3, v0;
	_ =	sdelay $0x1  }
0x14e: {  	v3 =	vperm.xlane v3, v2;
	v4 =	vadd.s32 v1, v4;
	_ =	sdelay $0x1  }
0x14f: {  	v3 =	vadd.s32 v1, v3;
	_ =	sdelay $0x2  }
0x150: {  	[tilespmem:s0], [sflag:$0x4] =	stream.indirect_vreg.gather [hbm4b:s3+s2], $0x80, v4, vm0, $0xb8;
	[tilespmem:$0xFF00] =	vst v63  }
0x151: {  	s29 =	simm.s32 $0xCF00  }
0x152: {  	[tilespmem:s29], [sflag:$0x4] =	stream.indirect_vreg.gather [hbm4b:s3+s2], $0x80, v3, vm0, $0xb8;
	[tilespmem:$0xFF00] =	vst v63  }
0x153: {  	v3 =	vld [tilespmem:s20+$0xFFFFFFE0];
	_ =	sdelay $0x4  }
0x154: {  	v61 =	vshll.u32 v3, $0x1  }
0x155: {  	v3 =	vand.u32 $0x7, v3;
	v4 =	vand.u32 $0xFFFFFFF0, v61  }
0x156: {  	v3 =	vor.u32 v3, v4  }
0x157: {  	v4 =	vperm.xlane v3, v0;
	_ =	sdelay $0x1  }
0x158: {  	v3 =	vperm.xlane v3, v2;
	v4 =	vadd.s32 v1, v4;
	_ =	sdelay $0x1  }
0x159: {  	v3 =	vadd.s32 v1, v3;
	_ =	sdelay $0x1  }
0x15a: {  	s29 =	simm.s32 $0xD700  }
0x15b: {  	[tilespmem:s29], [sflag:$0x4] =	stream.indirect_vreg.gather [hbm4b:s3+s2], $0x80, v4, vm0, $0xb8;
	[tilespmem:$0xFF00] =	vst v63  }
0x15c: {  	s29 =	simm.s32 $0xDF00  }
0x15d: {  	[tilespmem:s29], [sflag:$0x4] =	stream.indirect_vreg.gather [hbm4b:s3+s2], $0x80, v3, vm0, $0xb8;
	[tilespmem:$0xFF00] =	vst v63  }
0x15e: {  	v3 =	vld [tilespmem:s20+$0xFFFFFFF0];
	_ =	sdelay $0x4  }
0x15f: {  	v62 =	vshll.u32 v3, $0x1  }
0x160: {  	v3 =	vand.u32 $0x7, v3;
	v4 =	vand.u32 $0xFFFFFFF0, v62  }
0x161: {  	v3 =	vor.u32 v3, v4  }
0x162: {  	v4 =	vperm.xlane v3, v0;
	_ =	sdelay $0x1  }
0x163: {  	v3 =	vperm.xlane v3, v2;
	v4 =	vadd.s32 v1, v4;
	_ =	sdelay $0x1  }
0x164: {  	v3 =	vadd.s32 v1, v3;
	_ =	sdelay $0x1  }
0x165: {  	s29 =	simm.s32 $0xE700  }
0x166: {  	[tilespmem:s29], [sflag:$0x4] =	stream.indirect_vreg.gather [hbm4b:s3+s2], $0x80, v4, vm0, $0xb8;
	[tilespmem:$0xFF00] =	vst v63  }
0x167: {  	s29 =	simm.s32 $0xEF00  }
0x168: {  	[tilespmem:s29], [sflag:$0x4] =	stream.indirect_vreg.gather [hbm4b:s3+s2], $0x80, v3, vm0, $0xb8;
	[tilespmem:$0xFF00] =	vst v63  }
0x169: {  	v3 =	vld.msk [tilespmem:s20+$0x0], $0xff;
	_ =	sdelay $0x4  }
0x16a: {  	v63 =	vshll.u32 v3, $0x1  }
0x16b: {  	v3 =	vand.u32 $0x7, v3;
	v4 =	vand.u32 $0xFFFFFFF0, v63  }
0x16c: {  	v3 =	vor.u32 v3, v4  }
0x16d: {  	v3 =	vperm.xlane v3, v0;
	_ =	sdelay $0x1  }
0x16e: {  	p0 =	sne.s32 s21, $0x39C00;
	v3 =	vadd.s32 v1, v3  }
.Ltmp0:
0x16f: {  	_ = 	snop;
	(pc) =	sbr.rel @p0 .LBB2_2-.Ltmp0, $4  }
0x170: {  	_ = 	snop  }
0x171: {  	s21 =	sadd.s32 $0x1C00, s21;
	s18 =	simm.s32 $0x1F00  }
0x172: {  	s25 =	simm.s32 $0x5700;
	s26 =	simm.s32 $0x8F00;
	s20 =	sadd.s32 $0xE0, s20  }
0x173: {  	[tilespmem:s31], [sflag:$0x4] =	stream.indirect_vreg.gather [hbm4b:s3+s2], $0x80, v3, vm0, $0xb8;
	[tilespmem:$0xFF00] =	vst v63  }
0x174: {  	_ =	swait.ge [sflag:s10], $0x3800  }
0x175: {  	[sflag:s10] =	ssyncset.done $0x0  }
0x176: {  	s20 =	rddreg [dreg:$0x4];
	[sflag:s10] =	ssyncadd.s32 $0xFFFFC800  }
0x177: {  	[hbm4b:s20+s2] =	stream.linear.scatter [tilespmem:s18], [sflag:$0x5], $0x3800, $0x38;
	[tilespmem:$0xFF00] =	vst v63  }
0x178: {  	_ =	swait.ge [sflag:s12], $0x3800  }
0x179: {  	[sflag:s12] =	ssyncset.done $0x0  }
0x17a: {  	s9 =	rddreg [dreg:$0x5];
	[sflag:s12] =	ssyncadd.s32 $0xFFFFC800  }
0x17b: {  	[hbm4b:s9+s2] =	stream.linear.scatter [tilespmem:s25], [sflag:$0x6], $0x3800, $0x38;
	[tilespmem:$0xFF00] =	vst v63  }
0x17c: {  	_ =	swait.ge [sflag:s13], $0x3800  }
0x17d: {  	[sflag:s13] =	ssyncset.done $0x0  }
0x17e: {  	s11 =	rddreg [dreg:$0x6];
	[sflag:s13] =	ssyncadd.s32 $0xFFFFC800  }
0x17f: {  	[hbm4b:s11+s2] =	stream.linear.scatter [tilespmem:s26], [sflag:$0x7], $0x3800, $0x38;
	[tilespmem:$0xFF00] =	vst v63  }
0x180: {  	_ =	swait.ge [sflag:s14], $0x3800  }
0x181: {  	[sflag:s14] =	ssyncset.done $0x0  }
0x182: {  	s21 =	rddreg [dreg:$0x7];
	[sflag:s14] =	ssyncadd.s32 $0xFFFFC800  }
0x183: {  	[hbm4b:s21+s2] =	stream.linear.scatter [tilespmem:s0], [sflag:$0x8], $0x3800, $0x38;
	[tilespmem:$0xFF00] =	vst v63  }
0x184: {  	_ =	swait.ge [sflag:s15], $0x3800  }
0x185: {  	[sflag:s15] =	ssyncset.done $0x0  }
0x186: {  	[sflag:s15] =	ssyncadd.s32 $0xFFFFC800  }
0x187: {  	_ =	swait.ge [sflag:s16], $0x3800  }
0x188: {  	[sflag:s16] =	ssyncset.done $0x0  }
0x189: {  	[sflag:s16] =	ssyncadd.s32 $0xFFFFC800  }
0x18a: {  	_ =	swait.ge [sflag:s17], $0x3800  }
0x18b: {  	[sflag:s17] =	ssyncset.done $0x0  }
0x18c: {  	[sflag:s17] =	ssyncadd.s32 $0xFFFFC800  }
0x18d: {  	_ =	swait.ge [sflag:s19], $0x3800  }
0x18e: {  	s1 =	rddreg [dreg:$0x9]  }
0x18f: {  	s31 =	simm.s32 $0x4700;
	s24 =	rddreg [dreg:$0x8];
	s1 =	sadd.s32 $0x1, s1  }
0x190: {  	s28 =	simm.s32 $0x4F00;
	s29 =	simm.s32 $0x5F00;
	p0 =	sne.s32 s1, s24  }
.Ltmp1:
0x191: {  	s30 =	simm.s32 $0x6700;
	s4 =	simm.s32 $0x7700;
	(pc) =	sbr.rel @p0 .LBB2_1-.Ltmp1, $4  }
0x192: {  	s5 =	simm.s32 $0x7F00;
	s6 =	simm.s32 $0x8700;
	s7 =	simm.s32 $0x9700  }
0x193: {  	s8 =	simm.s32 $0x9F00;
	s9 =	simm.s32 $0xA700;
	[sflag:s19] =	ssyncset.done $0x0  }
0x194: {  	s11 =	simm.s32 $0xAF00;
	s21 =	simm.s32 $0x3700;
	[sflag:s19] =	ssyncadd.s32 $0xFFFFC800  }
0x195: {  	[dreg:$0x9] =	wrdreg s1;
	s24 =	simm.s32 $0x3F00;
	s1 =	simm.s32 $0x6F00  }
0x196: {  	_ =	sfence.sel $0x180000  }
0x197: {  	[bflag:$0x0] =	sbarrier.arrive $0xFFFF  }
0x198: {  	_ =	strace $0x90000047  }
0x199: {  	s0 =	stileid.u32;
	[bflag:$0x2] =	sbarrier.arrive $0xFFFF  }
0x19a: {  	p0 =	sne.s32 s0, $0x0;
	s0 =	rddreg [dreg:$0x1]  }
0x19b: {  	s0 =	sadd.s32 @!p0 $0x100000, s0  }
0x19c: {  	[sflag:s0] =	ssyncadd.tile.s32 @!p0 $0x1;
	_ =	shalt  }
.Lfunc_end2:
_tile_overlayer_lowered:
.L_overlay_start_2:
0x19d: {  	(tag) =	ssettag $0x2  }
0x19e: {  	s0 =	rddreg [dreg:$0x0];
	s2 =	stileid.u32  }
0x19f: {  	s1 =	rddreg [dreg:$0x1];
	p0 =	sne.s32 s2, $0x0  }
0x1a0: {  	s3 =	rddreg [dreg:$0x2];
	[bflag:$0x3] =	sbarrier.arrive $0xFFFF;
	s2 =	simm.s32 @!p0 $0x1C09  }
0x1a1: {  	[timem:s3], [sflag:s2] =	dma.local @!p0 [hbm:s0], s1  }
0x1a2: {  	s0 =	simm.s32 @!p0 $0x9  }
0x1a3: {  	_ =	swait.ge @!p0 [sflag:s0], s1  }
0x1a4: {  	s1 =	ssub.s32 @!p0 $0x0, s1;
	[sflag:s0] =	ssyncset.done @!p0 $0x0  }
0x1a5: {  	[sflag:s0] =	ssyncadd.s32 @!p0 s1  }
0x1a6: {  	[bflag:$0x3] =	sbarrier.arrive $0xFFFF  }
0x1a7: {  	_ =	shalt  }

</sc_bundles>
